<compile_context>
chip_gen: v7x
topology: tpu7x:2x2x1
jax: 0.10.2.dev20260603
libtpu: 0.0.44.dev20260713+nightly
codegen_flags: <defaults>
</compile_context>

<pallas_src>
import jax
import jax.numpy as jnp
from jax import lax
from jax.experimental import pallas as pl
from jax.experimental.pallas import tpu as pltpu
from jax.experimental.pallas import tpu_sc as plsc

N_NODES = 10000
N_EDGES = 320000
D_FEAT = 128
D_HID = 128
D_STRUCT_OUT = 64
NUM_CLASSES = 40

NC = 2
NS = 16
NW = NC * NS

CHUNK = 128
CH_PER_TILE = -(-N_EDGES // (NW * CHUNK))
EDGES_PER_TILE = CH_PER_TILE * CHUNK
E_PAD = EDGES_PER_TILE * NW

N_PAD = N_NODES + 240
ROWS_PER_TILE = N_PAD // NS

NID_CH = -(-N_NODES // (NW * CHUNK))
NID_PAD = NID_CH * CHUNK * NW
NID5_CH = -(-N_NODES // (NS * CHUNK))
NID5_PAD = NID5_CH * CHUNK * NS

ROW_BLK = 400
N_BLKS = N_NODES // ROW_BLK

_MESH = plsc.VectorSubcoreMesh(
    core_axis_name="c", subcore_axis_name="s", num_cores=NC, num_subcores=NS)


def _sc_agg_body(x, src_r, dst_r, zacc,
                 p0, p1,
                 idx_s_v, idx_d_v, rows_a, acc_sh, sem_a):
    c = lax.axis_index("c")
    s = lax.axis_index("s")
    t = c * NS + s
    row0 = pl.multiple_of(s * ROWS_PER_TILE, ROWS_PER_TILE)
    dsr = pl.ds(row0, ROWS_PER_TILE)

    pltpu.sync_copy(zacc, acc_sh.at[dsr])
    plsc.subcore_barrier()

    pltpu.sync_copy(src_r.at[t], idx_s_v)
    pltpu.sync_copy(dst_r.at[t], idx_d_v)

    def body(j, carry):
        pltpu.async_copy(x.at[idx_s_v.at[j]], rows_a, sem_a).wait()
        pltpu.sync_copy(rows_a, acc_sh.at[idx_d_v.at[j]], add=True)
        return carry

    lax.fori_loop(0, CH_PER_TILE, body, 0)

    plsc.subcore_barrier()

    @pl.when(c == 0)
    def _():
        pltpu.sync_copy(acc_sh.at[dsr], p0.at[dsr])

    @pl.when(c == 1)
    def _():
        pltpu.sync_copy(acc_sh.at[dsr], p1.at[dsr])


_sc_aggregate = pl.kernel(
    _sc_agg_body,
    out_type=(
        jax.ShapeDtypeStruct((N_PAD, D_FEAT), jnp.float32),
        jax.ShapeDtypeStruct((N_PAD, D_FEAT), jnp.float32),
    ),
    mesh=_MESH,
    scratch_types=[
        pltpu.VMEM((CH_PER_TILE, CHUNK), jnp.int32),
        pltpu.VMEM((CH_PER_TILE, CHUNK), jnp.int32),
        pltpu.VMEM((CHUNK, D_FEAT), jnp.float32),
        pltpu.VMEM_SHARED((N_PAD, D_FEAT), jnp.float32),
        pltpu.SemaphoreType.DMA,
    ],
)


def _sc_count_body(dst_r, zcnt,
                   c0, c1,
                   idx_d_v, cnt_v, red_v, res_v, cnt_sh):
    c = lax.axis_index("c")
    s = lax.axis_index("s")
    t = c * NS + s
    row0 = pl.multiple_of(s * ROWS_PER_TILE, ROWS_PER_TILE)
    dsr = pl.ds(row0, ROWS_PER_TILE)

    pltpu.sync_copy(dst_r.at[t], idx_d_v)
    pltpu.sync_copy(zcnt, cnt_v)
    ones16 = jnp.ones((16,), jnp.float32)

    def step(j, carry):
        def sub(k, carry2):
            idx = idx_d_v[j, pl.ds(k * 16, 16)]
            plsc.addupdate_scatter(cnt_v, [idx], ones16)
            return carry2
        return lax.fori_loop(0, CHUNK // 16, sub, carry)

    lax.fori_loop(0, CH_PER_TILE, step, 0)

    pltpu.sync_copy(cnt_v, cnt_sh.at[s])
    plsc.subcore_barrier()
    pltpu.sync_copy(cnt_sh.at[:, dsr], red_v)

    def red(r, carry):
        base = pl.multiple_of(r * 16, 16)
        acc = red_v[0, pl.ds(base, 16)]
        for q in range(1, NS):
            acc = acc + red_v[q, pl.ds(base, 16)]
        res_v[pl.ds(base, 16)] = acc
        return carry

    lax.fori_loop(0, ROWS_PER_TILE // 16, red, 0)

    @pl.when(c == 0)
    def _():
        pltpu.sync_copy(res_v, c0.at[dsr])

    @pl.when(c == 1)
    def _():
        pltpu.sync_copy(res_v, c1.at[dsr])


_sc_count = pl.kernel(
    _sc_count_body,
    out_type=(
        jax.ShapeDtypeStruct((N_PAD,), jnp.float32),
        jax.ShapeDtypeStruct((N_PAD,), jnp.float32),
    ),
    mesh=_MESH,
    compiler_params=pltpu.CompilerParams(needs_layout_passes=False),
    scratch_types=[
        pltpu.VMEM((CH_PER_TILE, CHUNK), jnp.int32),
        pltpu.VMEM((N_PAD,), jnp.float32),
        pltpu.VMEM((NS, ROWS_PER_TILE), jnp.float32),
        pltpu.VMEM((ROWS_PER_TILE,), jnp.float32),
        pltpu.VMEM_SHARED((NS, N_PAD), jnp.float32),
    ],
)


def _sc_agg2_body(x, src_r, dst_r, zacc, iw, nid5, nid3,
                  q0, q1, g0, g1, gi,
                  idx_s_v, idx_d_v, rows_a, nid5_v, nid3_v, acc_sh, sem_a):
    c = lax.axis_index("c")
    s = lax.axis_index("s")
    t = c * NS + s
    row0 = pl.multiple_of(s * ROWS_PER_TILE, ROWS_PER_TILE)
    dsr = pl.ds(row0, ROWS_PER_TILE)

    pltpu.sync_copy(zacc, acc_sh.at[dsr])
    pltpu.sync_copy(src_r.at[t], idx_s_v)
    pltpu.sync_copy(dst_r.at[t], idx_d_v)
    pltpu.sync_copy(nid5.at[s], nid5_v)
    pltpu.sync_copy(nid3.at[t], nid3_v)
    plsc.subcore_barrier()

    def body(j, carry):
        pltpu.async_copy(x.at[idx_s_v.at[j]], rows_a, sem_a).wait()
        pltpu.sync_copy(rows_a, acc_sh.at[idx_d_v.at[j]], add=True)
        return carry

    lax.fori_loop(0, CH_PER_TILE, body, 0)
    plsc.subcore_barrier()

    @pl.when(c == 0)
    def _():
        pltpu.sync_copy(acc_sh.at[dsr], q0.at[dsr])

    @pl.when(c == 1)
    def _():
        pltpu.sync_copy(acc_sh.at[dsr], q1.at[dsr])

    plsc.subcore_barrier()

    for j in range(NID5_CH):
        base = pl.multiple_of(s * (NID5_CH * CHUNK) + j * CHUNK, CHUNK)
        dso = pl.ds(base, CHUNK)

        @pl.when(c == 0)
        def _():
            pltpu.async_copy(q0.at[nid5_v.at[j]], rows_a, sem_a).wait()
            pltpu.sync_copy(rows_a, g0.at[dso])

        @pl.when(c == 1)
        def _():
            pltpu.async_copy(q1.at[nid5_v.at[j]], rows_a, sem_a).wait()
            pltpu.sync_copy(rows_a, g1.at[dso])

    for j in range(NID_CH):
        base = pl.multiple_of(t * (NID_CH * CHUNK) + j * CHUNK, CHUNK)
        dso = pl.ds(base, CHUNK)
        pltpu.async_copy(iw.at[nid3_v.at[j]], rows_a, sem_a).wait()
        pltpu.sync_copy(rows_a, gi.at[dso])


_sc_agg2 = pl.kernel(
    _sc_agg2_body,
    out_type=(
        jax.ShapeDtypeStruct((N_PAD, D_FEAT), jnp.float32),
        jax.ShapeDtypeStruct((N_PAD, D_FEAT), jnp.float32),
        jax.ShapeDtypeStruct((NID5_PAD, D_FEAT), jnp.float32),
        jax.ShapeDtypeStruct((NID5_PAD, D_FEAT), jnp.float32),
        jax.ShapeDtypeStruct((NID_PAD, D_FEAT), jnp.float32),
    ),
    mesh=_MESH,
    scratch_types=[
        pltpu.VMEM((CH_PER_TILE, CHUNK), jnp.int32),
        pltpu.VMEM((CH_PER_TILE, CHUNK), jnp.int32),
        pltpu.VMEM((CHUNK, D_FEAT), jnp.float32),
        pltpu.VMEM((NID5_CH, CHUNK), jnp.int32),
        pltpu.VMEM((NID_CH, CHUNK), jnp.int32),
        pltpu.VMEM_SHARED((N_PAD, D_FEAT), jnp.float32),
        pltpu.SemaphoreType.DMA,
    ],
)


def _tc_layer1_body(p0, p1, c0, c1, w, b, s_out, iw_out):
    cnt = c0[...] + c1[...]
    inv = 1.0 / jnp.maximum(cnt, 1.0)
    agg = (p0[...] + p1[...]) * inv
    h = jnp.dot(agg, w[...], preferred_element_type=jnp.float32) + b[...]
    s_out[...] = jnp.maximum(h, 0.0)
    iw_out[...] = jnp.broadcast_to(inv, (ROW_BLK, D_FEAT))


def _tc_layer1(p0, p1, c0, c1, w, b):
    return pl.pallas_call(
        _tc_layer1_body,
        grid=(N_BLKS,),
        in_specs=[
            pl.BlockSpec((ROW_BLK, D_FEAT), lambda i: (i, 0)),
            pl.BlockSpec((ROW_BLK, D_FEAT), lambda i: (i, 0)),
            pl.BlockSpec((ROW_BLK, 1), lambda i: (i, 0)),
            pl.BlockSpec((ROW_BLK, 1), lambda i: (i, 0)),
            pl.BlockSpec((D_FEAT, D_HID), lambda i: (0, 0)),
            pl.BlockSpec((1, D_HID), lambda i: (0, 0)),
        ],
        out_specs=[
            pl.BlockSpec((ROW_BLK, D_HID), lambda i: (i, 0)),
            pl.BlockSpec((ROW_BLK, D_FEAT), lambda i: (i, 0)),
        ],
        out_shape=[
            jax.ShapeDtypeStruct((N_NODES, D_HID), jnp.float32),
            jax.ShapeDtypeStruct((N_NODES, D_FEAT), jnp.float32),
        ],
    )(p0, p1, c0, c1, w, b.reshape(1, D_HID))


def _tc_final_body(p0, p1, c0, c1, g0, g1, gi, cx,
                   wc, bc, wg2, bg2, wl, bl, s_out, cls_out):
    cnt = c0[...] + c1[...]
    inv = 1.0 / jnp.maximum(cnt, 1.0)
    agg = (p0[...] + p1[...]) * inv
    S = jnp.dot(agg, wg2[...], preferred_element_type=jnp.float32) + bg2[...]
    s_out[...] = S

    aggg = (g0[...] + g1[...]) * gi[:, 0:1]
    xs = jnp.dot(aggg, wg2[...], preferred_element_type=jnp.float32) + bg2[...]

    wl_top = wl[0:D_STRUCT_OUT, :]
    wl_bot = wl[D_STRUCT_OUT:, :]
    wcl = jnp.dot(wc[...], wl_top, preferred_element_type=jnp.float32)
    bfold = jnp.dot(bc[...], wl_top, preferred_element_type=jnp.float32) + bl[...]
    logits = (jnp.dot(cx[...], wcl, preferred_element_type=jnp.float32)
              + jnp.dot(xs, wl_bot, preferred_element_type=jnp.float32)
              + bfold)
    m = jnp.max(logits, axis=1, keepdims=True)
    e = jnp.exp(logits - m)
    cls_out[...] = e / jnp.sum(e, axis=1, keepdims=True)


def _tc_final(p0, p1, c0, c1, g0, g1, gi, cx, wc, bc, wg2, bg2, wl, bl):
    full = lambda r, k: pl.BlockSpec((r, k), lambda i: (0, 0))
    blk = lambda k: pl.BlockSpec((ROW_BLK, k), lambda i: (i, 0))
    return pl.pallas_call(
        _tc_final_body,
        grid=(N_BLKS,),
        in_specs=[
            blk(D_FEAT), blk(D_FEAT), blk(1), blk(1),
            blk(D_FEAT), blk(D_FEAT), blk(D_FEAT),
            blk(D_FEAT),
            full(D_FEAT, D_STRUCT_OUT), full(1, D_STRUCT_OUT),
            full(D_HID, D_STRUCT_OUT), full(1, D_STRUCT_OUT),
            full(D_FEAT, NUM_CLASSES), full(1, NUM_CLASSES),
        ],
        out_specs=[
            pl.BlockSpec((ROW_BLK, D_STRUCT_OUT), lambda i: (i, 0)),
            pl.BlockSpec((ROW_BLK, NUM_CLASSES), lambda i: (i, 0)),
        ],
        out_shape=[
            jax.ShapeDtypeStruct((N_NODES, D_STRUCT_OUT), jnp.float32),
            jax.ShapeDtypeStruct((N_NODES, NUM_CLASSES), jnp.float32),
        ],
    )(p0, p1, c0, c1, g0, g1, gi, cx,
      wc, bc.reshape(1, -1), wg2, bg2.reshape(1, -1), wl, bl.reshape(1, -1))


def kernel(client_x, structural_features, node_ids, edge_index,
           W_c, b_c, W_g1, b_g1, W_g2, b_g2, W_l, b_l):
    src = edge_index[0]
    dst = edge_index[1]
    epad = E_PAD - N_EDGES
    src_r = jnp.concatenate(
        [src, jnp.zeros((epad,), jnp.int32)]).reshape(NW, CH_PER_TILE, CHUNK)
    pad_dst = N_NODES + (jnp.arange(epad, dtype=jnp.int32) % (N_PAD - N_NODES))
    dst_r = jnp.concatenate(
        [dst, pad_dst]).reshape(NW, CH_PER_TILE, CHUNK)
    nid3_r = jnp.concatenate(
        [node_ids, jnp.zeros((NID_PAD - N_NODES,), jnp.int32)]
    ).reshape(NW, NID_CH, CHUNK)
    nid5_r = jnp.concatenate(
        [node_ids, jnp.zeros((NID5_PAD - N_NODES,), jnp.int32)]
    ).reshape(NS, NID5_CH, CHUNK)
    zacc = jnp.zeros((ROWS_PER_TILE, D_FEAT), jnp.float32)
    zcnt = jnp.zeros((N_PAD,), jnp.float32)

    c0, c1 = _sc_count(dst_r, zcnt)
    c0 = c0.reshape(N_PAD, 1)
    c1 = c1.reshape(N_PAD, 1)
    p0, p1 = _sc_aggregate(structural_features, src_r, dst_r, zacc)
    s, iw = _tc_layer1(p0, p1, c0, c1, W_g1, b_g1)
    q0, q1, g0, g1, gi = _sc_agg2(s, src_r, dst_r, zacc, iw, nid5_r, nid3_r)
    S, out_client = _tc_final(
        q0, q1, c0, c1, g0, g1, gi, client_x,
        W_c, b_c, W_g2, b_g2, W_l, b_l)
    return (S, out_client)

# --- scband reference (transcript-rebuilt; emitter-appended) ---
"""Pipeline reference for scband-joint-model-40862318854388 (READ-ONLY COPY).

The authoritative reference and input builder live on the scoring server;
editing this copy changes nothing except your own understanding.
"""

import jax, jax.numpy as jnp
import numpy as np

N_NODES = 10000
N_EDGES = 320000
D_FEAT = 128
D_HID = 128
D_STRUCT_OUT = 64
D_CLIENT_OUT = 64
NUM_CLASSES = 40


def setup_inputs(seed: int = 0) -> dict:
    key = jax.random.key(seed)
    ks = jax.random.split(key, 12)
    client_x = jax.random.normal(ks[0], (N_NODES, D_FEAT), dtype=jnp.float32)
    structural_features = jax.random.normal(ks[1], (N_NODES, D_FEAT), dtype=jnp.float32)
    edge_index = jax.random.randint(ks[2], (2, N_EDGES), 0, N_NODES, dtype=jnp.int32)
    node_ids = jax.random.randint(ks[3], (N_NODES,), 0, N_NODES, dtype=jnp.int32)

    def init_w(k, fan_in, fan_out):
        return (jax.random.normal(k, (fan_in, fan_out), dtype=jnp.float32) / np.sqrt(fan_in)).astype(jnp.float32)

    W_c = init_w(ks[4], D_FEAT, D_CLIENT_OUT)
    b_c = jnp.zeros((D_CLIENT_OUT,), dtype=jnp.float32)
    W_g1 = init_w(ks[5], D_FEAT, D_HID)
    b_g1 = jnp.zeros((D_HID,), dtype=jnp.float32)
    W_g2 = init_w(ks[6], D_HID, D_STRUCT_OUT)
    b_g2 = jnp.zeros((D_STRUCT_OUT,), dtype=jnp.float32)
    W_l = init_w(ks[7], D_CLIENT_OUT + D_STRUCT_OUT, NUM_CLASSES)
    b_l = jnp.zeros((NUM_CLASSES,), dtype=jnp.float32)
    return {
        "client_x": client_x,
        "structural_features": structural_features,
        "node_ids": node_ids,
        "edge_index": edge_index,
        "W_c": W_c, "b_c": b_c,
        "W_g1": W_g1, "b_g1": b_g1,
        "W_g2": W_g2, "b_g2": b_g2,
        "W_l": W_l, "b_l": b_l,
    }


def _mean_aggregate(x, src, dst):
    # MessagePassing(aggr='mean'): mean over incoming neighbor messages per dst node
    msg = jnp.take(x, src, axis=0)
    agg = jax.ops.segment_sum(msg, dst, num_segments=N_NODES)
    cnt = jax.ops.segment_sum(jnp.ones((src.shape[0],), dtype=x.dtype), dst, num_segments=N_NODES)
    return agg / jnp.maximum(cnt, 1.0)[:, None]


def reference(client_x, structural_features, node_ids, edge_index, W_c, b_c, W_g1, b_g1, W_g2, b_g2, W_l, b_l):
    src = edge_index[0]
    dst = edge_index[1]
    # client MLP (single layer, softmax=False, dropout inactive at eval)
    h_client = client_x @ W_c + b_c
    # structure GNN: 2 message-passing layers, relu then linear last layer
    s = jax.nn.relu(_mean_aggregate(structural_features, src, dst) @ W_g1 + b_g1)
    S = _mean_aggregate(s, src, dst) @ W_g2 + b_g2
    # gather structure embeddings for client's nodes and fuse
    x_s = jnp.take(S, node_ids, axis=0)
    x_cat = jnp.concatenate([h_client, x_s], axis=1)
    logits = x_cat @ W_l + b_l
    out_client = jax.nn.softmax(logits, axis=1)
    return (S, out_client)

if __name__ == "__main__":
    import jax
    _d = setup_inputs()
    print(jax.jit(kernel)(*tuple(_d.values())))

</pallas_src>

<mosaic_0001>
#map = affine_map<(d0, d1) -> (0, 0, 0)>
#map1 = affine_map<(d0, d1) -> (0)>
module attributes {stable_mosaic.version = 14 : i64} {
  func.func @_sc_count_body(%arg0: i32, %arg1: i32, %arg2: memref<32x79x128xi32, #tpu.memory_space<hbm>>, %arg3: memref<10240xf32, #tpu.memory_space<hbm>>, %arg4: memref<10240xf32, #tpu.memory_space<hbm>>, %arg5: memref<10240xf32, #tpu.memory_space<hbm>>, %arg6: memref<79x128xi32, #tpu.memory_space<vmem>>, %arg7: memref<10240xf32, #tpu.memory_space<vmem>>, %arg8: memref<16x640xf32, #tpu.memory_space<vmem>>, %arg9: memref<640xf32, #tpu.memory_space<vmem>>, %arg10: memref<16x10240xf32, #tpu.memory_space<vmem_shared>>) attributes {dimension_semantics = [#tpu.dimension_semantics<core_parallel>, #tpu.dimension_semantics<subcore_parallel>], iteration_bounds = array<i64: 2, 16>, scalar_prefetch = 0 : i64, scratch_operands = 5 : i64, tpu.core_type = #tpu.core_type<sc_vector_subcore>, window_params = [{transform_indices = #map}, {transform_indices = #map1}, {transform_indices = #map1}, {transform_indices = #map1}]} {
    %mul3A = arith.constant 16 : i32
    %mul3A_0 = arith.muli %arg0, %mul3A : i32
    %add3A = arith.addi %mul3A_0, %arg1 : i32
    %mul3A_1 = arith.constant 640 : i32
    %mul3A_2 = arith.muli %arg1, %mul3A_1 : i32
    %multiple_of3A = tpu.assume_multiple %mul3A_2, 640 : i32
    "tpu.region"() ({
      %run_scoped3A = tpu.sem_alloc : memref<!tpu.dma_semaphore, #tpu.memory_space<semaphore_mem>>
      %dma_start3A = arith.constant 0 : i32
      %dma_start3A_22 = arith.constant 0 : i32
      %dma_start3A_23 = tpu.memref_slice %arg2[%add3A, %dma_start3A, %dma_start3A_22] : memref<32x79x128xi32, #tpu.memory_space<hbm>> -> memref<1x79x128xi32, #tpu.memory_space<hbm>>
      %dma_start3A_24 = tpu.memref_squeeze %dma_start3A_23 : memref<1x79x128xi32, #tpu.memory_space<hbm>> -> memref<79x128xi32, #tpu.memory_space<hbm>>
      %dma_start3A_25 = arith.constant 0 : i32
      %dma_start3A_26 = arith.constant 0 : i32
      %dma_start3A_27 = tpu.memref_slice %arg2[%add3A, %dma_start3A_25, %dma_start3A_26] : memref<32x79x128xi32, #tpu.memory_space<hbm>> -> memref<1x79x128xi32, #tpu.memory_space<hbm>>
      %dma_start3A_28 = tpu.memref_squeeze %dma_start3A_27 : memref<1x79x128xi32, #tpu.memory_space<hbm>> -> memref<79x128xi32, #tpu.memory_space<hbm>>
      tpu.enqueue_dma source(%dma_start3A_28 : memref<79x128xi32, #tpu.memory_space<hbm>>) target(%arg6 : memref<79x128xi32, #tpu.memory_space<vmem>>) target_semaphore(%run_scoped3A : memref<!tpu.dma_semaphore, #tpu.memory_space<semaphore_mem>>)
      %dma_wait3A = arith.constant 0 : i32
      %dma_wait3A_29 = arith.constant 0 : i32
      %dma_wait3A_30 = tpu.memref_slice %arg2[%add3A, %dma_wait3A, %dma_wait3A_29] : memref<32x79x128xi32, #tpu.memory_space<hbm>> -> memref<1x79x128xi32, #tpu.memory_space<hbm>>
      %dma_wait3A_31 = tpu.memref_squeeze %dma_wait3A_30 : memref<1x79x128xi32, #tpu.memory_space<hbm>> -> memref<79x128xi32, #tpu.memory_space<hbm>>
      %dma_wait3A_32 = arith.constant 0 : i32
      %dma_wait3A_33 = arith.constant 0 : i32
      %dma_wait3A_34 = tpu.memref_slice %arg2[%add3A, %dma_wait3A_32, %dma_wait3A_33] : memref<32x79x128xi32, #tpu.memory_space<hbm>> -> memref<1x79x128xi32, #tpu.memory_space<hbm>>
      %dma_wait3A_35 = tpu.memref_squeeze %dma_wait3A_34 : memref<1x79x128xi32, #tpu.memory_space<hbm>> -> memref<79x128xi32, #tpu.memory_space<hbm>>
      tpu.wait_dma2 semaphore(%run_scoped3A : memref<!tpu.dma_semaphore, #tpu.memory_space<semaphore_mem>>) src(%dma_wait3A_35 : memref<79x128xi32, #tpu.memory_space<hbm>>) dst(%arg6 : memref<79x128xi32, #tpu.memory_space<vmem>>)
      tpu.yield
    }) : () -> ()
    "tpu.region"() ({
      %run_scoped3A = tpu.sem_alloc : memref<!tpu.dma_semaphore, #tpu.memory_space<semaphore_mem>>
      tpu.enqueue_dma source(%arg3 : memref<10240xf32, #tpu.memory_space<hbm>>) target(%arg7 : memref<10240xf32, #tpu.memory_space<vmem>>) target_semaphore(%run_scoped3A : memref<!tpu.dma_semaphore, #tpu.memory_space<semaphore_mem>>)
      tpu.wait_dma2 semaphore(%run_scoped3A : memref<!tpu.dma_semaphore, #tpu.memory_space<semaphore_mem>>) src(%arg3 : memref<10240xf32, #tpu.memory_space<hbm>>) dst(%arg7 : memref<10240xf32, #tpu.memory_space<vmem>>)
      tpu.yield
    }) : () -> ()
    %broadcast_in_dim3A = arith.constant 1.000000e+00 : f32
    %broadcast_in_dim3A_3 = vector.broadcast %broadcast_in_dim3A : f32 to vector<16xf32>
    %scan3A = arith.constant 0 : i32
    %scan3A_4 = arith.constant 0 : i32
    %scan3A_5 = arith.constant 79 : i32
    %scan3A_6 = arith.addi %scan3A_4, %scan3A_5 : i32
    %scan3A_7 = arith.constant 1 : i32
    scf.for %scan3A_22 = %scan3A_4 to %scan3A_6 step %scan3A_7  : i32 {
      %scan3A_23 = arith.constant 0 : i32
      %scan3A_24 = arith.constant 8 : i32
      %scan3A_25 = arith.addi %scan3A_23, %scan3A_24 : i32
      %scan3A_26 = arith.constant 1 : i32
      scf.for %scan3A_28 = %scan3A_23 to %scan3A_25 step %scan3A_26  : i32 {
        %mul3A_29 = arith.constant 16 : i32
        %mul3A_30 = arith.muli %scan3A_28, %mul3A_29 : i32
        %get3A = arith.index_cast %scan3A_22 : i32 to index
        %get3A_31 = arith.index_cast %mul3A_30 : i32 to index
        %get3A_32 = tpu.vector_load %arg6[%get3A, %get3A_31] {strides = array<i32>} : memref<79x128xi32, #tpu.memory_space<vmem>>, vector<16xi32>,
        tpu.vector_store_idx %arg7[%get3A_32], %broadcast_in_dim3A_3 {add = true} : memref<10240xf32, #tpu.memory_space<vmem>>[vector<16xi32>], vector<16xf32>,
      }
      %scan3A_27 = arith.constant 8 : i32
    }
    %scan3A_8 = arith.constant 79 : i32
    "tpu.region"() ({
      %run_scoped3A = tpu.sem_alloc : memref<!tpu.dma_semaphore, #tpu.memory_space<semaphore_mem>>
      %dma_start3A = arith.constant 0 : i32
      %dma_start3A_22 = tpu.memref_slice %arg10[%arg1, %dma_start3A] : memref<16x10240xf32, #tpu.memory_space<vmem_shared>> -> memref<1x10240xf32, #tpu.memory_space<vmem_shared>>
      %dma_start3A_23 = tpu.memref_squeeze %dma_start3A_22 : memref<1x10240xf32, #tpu.memory_space<vmem_shared>> -> memref<10240xf32, #tpu.memory_space<vmem_shared>>
      %dma_start3A_24 = arith.constant 0 : i32
      %dma_start3A_25 = tpu.memref_slice %arg10[%arg1, %dma_start3A_24] : memref<16x10240xf32, #tpu.memory_space<vmem_shared>> -> memref<1x10240xf32, #tpu.memory_space<vmem_shared>>
      %dma_start3A_26 = tpu.memref_squeeze %dma_start3A_25 : memref<1x10240xf32, #tpu.memory_space<vmem_shared>> -> memref<10240xf32, #tpu.memory_space<vmem_shared>>
      tpu.enqueue_dma source(%arg7 : memref<10240xf32, #tpu.memory_space<vmem>>) target(%dma_start3A_26 : memref<10240xf32, #tpu.memory_space<vmem_shared>>) target_semaphore(%run_scoped3A : memref<!tpu.dma_semaphore, #tpu.memory_space<semaphore_mem>>)
      %dma_wait3A = arith.constant 0 : i32
      %dma_wait3A_27 = tpu.memref_slice %arg10[%arg1, %dma_wait3A] : memref<16x10240xf32, #tpu.memory_space<vmem_shared>> -> memref<1x10240xf32, #tpu.memory_space<vmem_shared>>
      %dma_wait3A_28 = tpu.memref_squeeze %dma_wait3A_27 : memref<1x10240xf32, #tpu.memory_space<vmem_shared>> -> memref<10240xf32, #tpu.memory_space<vmem_shared>>
      %dma_wait3A_29 = arith.constant 0 : i32
      %dma_wait3A_30 = tpu.memref_slice %arg10[%arg1, %dma_wait3A_29] : memref<16x10240xf32, #tpu.memory_space<vmem_shared>> -> memref<1x10240xf32, #tpu.memory_space<vmem_shared>>
      %dma_wait3A_31 = tpu.memref_squeeze %dma_wait3A_30 : memref<1x10240xf32, #tpu.memory_space<vmem_shared>> -> memref<10240xf32, #tpu.memory_space<vmem_shared>>
      tpu.wait_dma2 semaphore(%run_scoped3A : memref<!tpu.dma_semaphore, #tpu.memory_space<semaphore_mem>>) src(%arg7 : memref<10240xf32, #tpu.memory_space<vmem>>) dst(%dma_wait3A_31 : memref<10240xf32, #tpu.memory_space<vmem_shared>>)
      tpu.yield
    }) : () -> ()
    %barrier3A = arith.constant 0 : index
    tpu.barrier barrier_id(%barrier3A)
    "tpu.region"() ({
      %run_scoped3A = tpu.sem_alloc : memref<!tpu.dma_semaphore, #tpu.memory_space<semaphore_mem>>
      %dma_start3A = arith.constant 0 : i32
      %dma_start3A_22 = tpu.memref_slice %arg10[%dma_start3A, %multiple_of3A] : memref<16x10240xf32, #tpu.memory_space<vmem_shared>> -> memref<16x640xf32, #tpu.memory_space<vmem_shared>>
      %dma_start3A_23 = arith.constant 0 : i32
      %dma_start3A_24 = tpu.memref_slice %arg10[%dma_start3A_23, %multiple_of3A] : memref<16x10240xf32, #tpu.memory_space<vmem_shared>> -> memref<16x640xf32, #tpu.memory_space<vmem_shared>>
      tpu.enqueue_dma source(%dma_start3A_24 : memref<16x640xf32, #tpu.memory_space<vmem_shared>>) target(%arg8 : memref<16x640xf32, #tpu.memory_space<vmem>>) target_semaphore(%run_scoped3A : memref<!tpu.dma_semaphore, #tpu.memory_space<semaphore_mem>>)
      %dma_wait3A = arith.constant 0 : i32
      %dma_wait3A_25 = tpu.memref_slice %arg10[%dma_wait3A, %multiple_of3A] : memref<16x10240xf32, #tpu.memory_space<vmem_shared>> -> memref<16x640xf32, #tpu.memory_space<vmem_shared>>
      %dma_wait3A_26 = arith.constant 0 : i32
      %dma_wait3A_27 = tpu.memref_slice %arg10[%dma_wait3A_26, %multiple_of3A] : memref<16x10240xf32, #tpu.memory_space<vmem_shared>> -> memref<16x640xf32, #tpu.memory_space<vmem_shared>>
      tpu.wait_dma2 semaphore(%run_scoped3A : memref<!tpu.dma_semaphore, #tpu.memory_space<semaphore_mem>>) src(%dma_wait3A_27 : memref<16x640xf32, #tpu.memory_space<vmem_shared>>) dst(%arg8 : memref<16x640xf32, #tpu.memory_space<vmem>>)
      tpu.yield
    }) : () -> ()
    %scan3A_9 = arith.constant 0 : i32
    %scan3A_10 = arith.constant 0 : i32
    %scan3A_11 = arith.constant 40 : i32
    %scan3A_12 = arith.addi %scan3A_10, %scan3A_11 : i32
    %scan3A_13 = arith.constant 1 : i32
    scf.for %scan3A_22 = %scan3A_10 to %scan3A_12 step %scan3A_13  : i32 {
      %mul3A_23 = arith.constant 16 : i32
      %mul3A_24 = arith.muli %scan3A_22, %mul3A_23 : i32
      %multiple_of3A_25 = tpu.assume_multiple %mul3A_24, 16 : i32
      %get3A = arith.constant 0 : i32
      %get3A_26 = arith.index_cast %get3A : i32 to index
      %get3A_27 = arith.index_cast %multiple_of3A_25 : i32 to index
      %get3A_28 = tpu.vector_load %arg8[%get3A_26, %get3A_27] {strides = array<i32>} : memref<16x640xf32, #tpu.memory_space<vmem>>, vector<16xf32>,
      %get3A_29 = arith.constant 1 : i32
      %get3A_30 = arith.index_cast %get3A_29 : i32 to index
      %get3A_31 = arith.index_cast %multiple_of3A_25 : i32 to index
      %get3A_32 = tpu.vector_load %arg8[%get3A_30, %get3A_31] {strides = array<i32>} : memref<16x640xf32, #tpu.memory_space<vmem>>, vector<16xf32>,
      %add3A_33 = arith.addf %get3A_28, %get3A_32 : vector<16xf32>
      %get3A_34 = arith.constant 2 : i32
      %get3A_35 = arith.index_cast %get3A_34 : i32 to index
      %get3A_36 = arith.index_cast %multiple_of3A_25 : i32 to index
      %get3A_37 = tpu.vector_load %arg8[%get3A_35, %get3A_36] {strides = array<i32>} : memref<16x640xf32, #tpu.memory_space<vmem>>, vector<16xf32>,
      %add3A_38 = arith.addf %add3A_33, %get3A_37 : vector<16xf32>
      %get3A_39 = arith.constant 3 : i32
      %get3A_40 = arith.index_cast %get3A_39 : i32 to index
      %get3A_41 = arith.index_cast %multiple_of3A_25 : i32 to index
      %get3A_42 = tpu.vector_load %arg8[%get3A_40, %get3A_41] {strides = array<i32>} : memref<16x640xf32, #tpu.memory_space<vmem>>, vector<16xf32>,
      %add3A_43 = arith.addf %add3A_38, %get3A_42 : vector<16xf32>
      %get3A_44 = arith.constant 4 : i32
      %get3A_45 = arith.index_cast %get3A_44 : i32 to index
      %get3A_46 = arith.index_cast %multiple_of3A_25 : i32 to index
      %get3A_47 = tpu.vector_load %arg8[%get3A_45, %get3A_46] {strides = array<i32>} : memref<16x640xf32, #tpu.memory_space<vmem>>, vector<16xf32>,
      %add3A_48 = arith.addf %add3A_43, %get3A_47 : vector<16xf32>
      %get3A_49 = arith.constant 5 : i32
      %get3A_50 = arith.index_cast %get3A_49 : i32 to index
      %get3A_51 = arith.index_cast %multiple_of3A_25 : i32 to index
      %get3A_52 = tpu.vector_load %arg8[%get3A_50, %get3A_51] {strides = array<i32>} : memref<16x640xf32, #tpu.memory_space<vmem>>, vector<16xf32>,
      %add3A_53 = arith.addf %add3A_48, %get3A_52 : vector<16xf32>
      %get3A_54 = arith.constant 6 : i32
      %get3A_55 = arith.index_cast %get3A_54 : i32 to index
      %get3A_56 = arith.index_cast %multiple_of3A_25 : i32 to index
      %get3A_57 = tpu.vector_load %arg8[%get3A_55, %get3A_56] {strides = array<i32>} : memref<16x640xf32, #tpu.memory_space<vmem>>, vector<16xf32>,
      %add3A_58 = arith.addf %add3A_53, %get3A_57 : vector<16xf32>
      %get3A_59 = arith.constant 7 : i32
      %get3A_60 = arith.index_cast %get3A_59 : i32 to index
      %get3A_61 = arith.index_cast %multiple_of3A_25 : i32 to index
      %get3A_62 = tpu.vector_load %arg8[%get3A_60, %get3A_61] {strides = array<i32>} : memref<16x640xf32, #tpu.memory_space<vmem>>, vector<16xf32>,
      %add3A_63 = arith.addf %add3A_58, %get3A_62 : vector<16xf32>
      %get3A_64 = arith.constant 8 : i32
      %get3A_65 = arith.index_cast %get3A_64 : i32 to index
      %get3A_66 = arith.index_cast %multiple_of3A_25 : i32 to index
      %get3A_67 = tpu.vector_load %arg8[%get3A_65, %get3A_66] {strides = array<i32>} : memref<16x640xf32, #tpu.memory_space<vmem>>, vector<16xf32>,
      %add3A_68 = arith.addf %add3A_63, %get3A_67 : vector<16xf32>
      %get3A_69 = arith.constant 9 : i32
      %get3A_70 = arith.index_cast %get3A_69 : i32 to index
      %get3A_71 = arith.index_cast %multiple_of3A_25 : i32 to index
      %get3A_72 = tpu.vector_load %arg8[%get3A_70, %get3A_71] {strides = array<i32>} : memref<16x640xf32, #tpu.memory_space<vmem>>, vector<16xf32>,
      %add3A_73 = arith.addf %add3A_68, %get3A_72 : vector<16xf32>
      %get3A_74 = arith.constant 10 : i32
      %get3A_75 = arith.index_cast %get3A_74 : i32 to index
      %get3A_76 = arith.index_cast %multiple_of3A_25 : i32 to index
      %get3A_77 = tpu.vector_load %arg8[%get3A_75, %get3A_76] {strides = array<i32>} : memref<16x640xf32, #tpu.memory_space<vmem>>, vector<16xf32>,
      %add3A_78 = arith.addf %add3A_73, %get3A_77 : vector<16xf32>
      %get3A_79 = arith.constant 11 : i32
      %get3A_80 = arith.index_cast %get3A_79 : i32 to index
      %get3A_81 = arith.index_cast %multiple_of3A_25 : i32 to index
      %get3A_82 = tpu.vector_load %arg8[%get3A_80, %get3A_81] {strides = array<i32>} : memref<16x640xf32, #tpu.memory_space<vmem>>, vector<16xf32>,
      %add3A_83 = arith.addf %add3A_78, %get3A_82 : vector<16xf32>
      %get3A_84 = arith.constant 12 : i32
      %get3A_85 = arith.index_cast %get3A_84 : i32 to index
      %get3A_86 = arith.index_cast %multiple_of3A_25 : i32 to index
      %get3A_87 = tpu.vector_load %arg8[%get3A_85, %get3A_86] {strides = array<i32>} : memref<16x640xf32, #tpu.memory_space<vmem>>, vector<16xf32>,
      %add3A_88 = arith.addf %add3A_83, %get3A_87 : vector<16xf32>
      %get3A_89 = arith.constant 13 : i32
      %get3A_90 = arith.index_cast %get3A_89 : i32 to index
      %get3A_91 = arith.index_cast %multiple_of3A_25 : i32 to index
      %get3A_92 = tpu.vector_load %arg8[%get3A_90, %get3A_91] {strides = array<i32>} : memref<16x640xf32, #tpu.memory_space<vmem>>, vector<16xf32>,
      %add3A_93 = arith.addf %add3A_88, %get3A_92 : vector<16xf32>
      %get3A_94 = arith.constant 14 : i32
      %get3A_95 = arith.index_cast %get3A_94 : i32 to index
      %get3A_96 = arith.index_cast %multiple_of3A_25 : i32 to index
      %get3A_97 = tpu.vector_load %arg8[%get3A_95, %get3A_96] {strides = array<i32>} : memref<16x640xf32, #tpu.memory_space<vmem>>, vector<16xf32>,
      %add3A_98 = arith.addf %add3A_93, %get3A_97 : vector<16xf32>
      %get3A_99 = arith.constant 15 : i32
      %get3A_100 = arith.index_cast %get3A_99 : i32 to index
      %get3A_101 = arith.index_cast %multiple_of3A_25 : i32 to index
      %get3A_102 = tpu.vector_load %arg8[%get3A_100, %get3A_101] {strides = array<i32>} : memref<16x640xf32, #tpu.memory_space<vmem>>, vector<16xf32>,
      %add3A_103 = arith.addf %add3A_98, %get3A_102 : vector<16xf32>
      %swap3A = arith.index_cast %multiple_of3A_25 : i32 to index
      %swap3A_104 = tpu.vector_load %arg9[%swap3A] {strides = array<i32>} : memref<640xf32, #tpu.memory_space<vmem>>, vector<16xf32>,
      tpu.vector_store %arg9[%swap3A], %add3A_103 {strides = array<i32>} : memref<640xf32, #tpu.memory_space<vmem>>, vector<16xf32>,
    }
    %scan3A_14 = arith.constant 40 : i32
    %eq3A = arith.constant 0 : i32
    %eq3A_15 = arith.cmpi eq, %arg0, %eq3A : i32
    %convert_element_type3A = arith.extui %eq3A_15 : i1 to i32
    %cond3A = arith.constant 0 : i32
    %cond3A_16 = arith.cmpi ne, %convert_element_type3A, %cond3A : i32
    scf.if %cond3A_16 {
      "tpu.region"() ({
        %run_scoped3A = tpu.sem_alloc : memref<!tpu.dma_semaphore, #tpu.memory_space<semaphore_mem>>
        %dma_start3A = tpu.memref_slice %arg4[%multiple_of3A] : memref<10240xf32, #tpu.memory_space<hbm>> -> memref<640xf32, #tpu.memory_space<hbm>>
        %dma_start3A_22 = tpu.memref_slice %arg4[%multiple_of3A] : memref<10240xf32, #tpu.memory_space<hbm>> -> memref<640xf32, #tpu.memory_space<hbm>>
        tpu.enqueue_dma source(%arg9 : memref<640xf32, #tpu.memory_space<vmem>>) target(%dma_start3A_22 : memref<640xf32, #tpu.memory_space<hbm>>) target_semaphore(%run_scoped3A : memref<!tpu.dma_semaphore, #tpu.memory_space<semaphore_mem>>)
        %dma_wait3A = tpu.memref_slice %arg4[%multiple_of3A] : memref<10240xf32, #tpu.memory_space<hbm>> -> memref<640xf32, #tpu.memory_space<hbm>>
        %dma_wait3A_23 = tpu.memref_slice %arg4[%multiple_of3A] : memref<10240xf32, #tpu.memory_space<hbm>> -> memref<640xf32, #tpu.memory_space<hbm>>
        tpu.wait_dma2 semaphore(%run_scoped3A : memref<!tpu.dma_semaphore, #tpu.memory_space<semaphore_mem>>) src(%arg9 : memref<640xf32, #tpu.memory_space<vmem>>) dst(%dma_wait3A_23 : memref<640xf32, #tpu.memory_space<hbm>>)
        tpu.yield
      }) : () -> ()
    } else {
    }
    %eq3A_17 = arith.constant 1 : i32
    %eq3A_18 = arith.cmpi eq, %arg0, %eq3A_17 : i32
    %convert_element_type3A_19 = arith.extui %eq3A_18 : i1 to i32
    %cond3A_20 = arith.constant 0 : i32
    %cond3A_21 = arith.cmpi ne, %convert_element_type3A_19, %cond3A_20 : i32
    scf.if %cond3A_21 {
      "tpu.region"() ({
        %run_scoped3A = tpu.sem_alloc : memref<!tpu.dma_semaphore, #tpu.memory_space<semaphore_mem>>
        %dma_start3A = tpu.memref_slice %arg5[%multiple_of3A] : memref<10240xf32, #tpu.memory_space<hbm>> -> memref<640xf32, #tpu.memory_space<hbm>>
        %dma_start3A_22 = tpu.memref_slice %arg5[%multiple_of3A] : memref<10240xf32, #tpu.memory_space<hbm>> -> memref<640xf32, #tpu.memory_space<hbm>>
        tpu.enqueue_dma source(%arg9 : memref<640xf32, #tpu.memory_space<vmem>>) target(%dma_start3A_22 : memref<640xf32, #tpu.memory_space<hbm>>) target_semaphore(%run_scoped3A : memref<!tpu.dma_semaphore, #tpu.memory_space<semaphore_mem>>)
        %dma_wait3A = tpu.memref_slice %arg5[%multiple_of3A] : memref<10240xf32, #tpu.memory_space<hbm>> -> memref<640xf32, #tpu.memory_space<hbm>>
        %dma_wait3A_23 = tpu.memref_slice %arg5[%multiple_of3A] : memref<10240xf32, #tpu.memory_space<hbm>> -> memref<640xf32, #tpu.memory_space<hbm>>
        tpu.wait_dma2 semaphore(%run_scoped3A : memref<!tpu.dma_semaphore, #tpu.memory_space<semaphore_mem>>) src(%arg9 : memref<640xf32, #tpu.memory_space<vmem>>) dst(%dma_wait3A_23 : memref<640xf32, #tpu.memory_space<hbm>>)
        tpu.yield
      }) : () -> ()
    } else {
    }
    return
  }
}

#map = affine_map<(d0, d1) -> (0, 0)>
#map1 = affine_map<(d0, d1) -> (0, 0, 0)>
module attributes {stable_mosaic.version = 14 : i64} {
  func.func @_sc_agg_body(%arg0: i32, %arg1: i32, %arg2: memref<10000x128xf32, #tpu.memory_space<hbm>>, %arg3: memref<32x79x128xi32, #tpu.memory_space<hbm>>, %arg4: memref<32x79x128xi32, #tpu.memory_space<hbm>>, %arg5: memref<640x128xf32, #tpu.memory_space<hbm>>, %arg6: memref<10240x128xf32, #tpu.memory_space<hbm>>, %arg7: memref<10240x128xf32, #tpu.memory_space<hbm>>, %arg8: memref<79x128xi32, #tpu.memory_space<vmem>>, %arg9: memref<79x128xi32, #tpu.memory_space<vmem>>, %arg10: memref<128x128xf32, #tpu.memory_space<vmem>>, %arg11: memref<10240x128xf32, #tpu.memory_space<vmem_shared>>, %arg12: memref<!tpu.dma_semaphore, #tpu.memory_space<semaphore_mem>>) attributes {dimension_semantics = [#tpu.dimension_semantics<core_parallel>, #tpu.dimension_semantics<subcore_parallel>], iteration_bounds = array<i64: 2, 16>, scalar_prefetch = 0 : i64, scratch_operands = 5 : i64, tpu.core_type = #tpu.core_type<sc_vector_subcore>, window_params = [{transform_indices = #map}, {transform_indices = #map1}, {transform_indices = #map1}, {transform_indices = #map}, {transform_indices = #map}, {transform_indices = #map}]} {
    %mul3A = arith.constant 16 : i32
    %mul3A_0 = arith.muli %arg0, %mul3A : i32
    %add3A = arith.addi %mul3A_0, %arg1 : i32
    %mul3A_1 = arith.constant 640 : i32
    %mul3A_2 = arith.muli %arg1, %mul3A_1 : i32
    %multiple_of3A = tpu.assume_multiple %mul3A_2, 640 : i32
    "tpu.region"() ({
      %run_scoped3A = tpu.sem_alloc : memref<!tpu.dma_semaphore, #tpu.memory_space<semaphore_mem>>
      %dma_start3A = arith.constant 0 : i32
      %dma_start3A_16 = tpu.memref_slice %arg11[%multiple_of3A, %dma_start3A] : memref<10240x128xf32, #tpu.memory_space<vmem_shared>> -> memref<640x128xf32, #tpu.memory_space<vmem_shared>>
      tpu.enqueue_dma source(%arg5 : memref<640x128xf32, #tpu.memory_space<hbm>>) target(%dma_start3A_16 : memref<640x128xf32, #tpu.memory_space<vmem_shared>>) target_semaphore(%run_scoped3A : memref<!tpu.dma_semaphore, #tpu.memory_space<semaphore_mem>>)
      %dma_wait3A = arith.constant 0 : i32
      %dma_wait3A_17 = tpu.memref_slice %arg11[%multiple_of3A, %dma_wait3A] : memref<10240x128xf32, #tpu.memory_space<vmem_shared>> -> memref<640x128xf32, #tpu.memory_space<vmem_shared>>
      tpu.wait_dma2 semaphore(%run_scoped3A : memref<!tpu.dma_semaphore, #tpu.memory_space<semaphore_mem>>) src(%arg5 : memref<640x128xf32, #tpu.memory_space<hbm>>) dst(%dma_wait3A_17 : memref<640x128xf32, #tpu.memory_space<vmem_shared>>)
      tpu.yield
    }) : () -> ()
    %barrier3A = arith.constant 0 : index
    tpu.barrier barrier_id(%barrier3A)
    "tpu.region"() ({
      %run_scoped3A = tpu.sem_alloc : memref<!tpu.dma_semaphore, #tpu.memory_space<semaphore_mem>>
      %dma_start3A = arith.constant 0 : i32
      %dma_start3A_16 = arith.constant 0 : i32
      %dma_start3A_17 = tpu.memref_slice %arg3[%add3A, %dma_start3A, %dma_start3A_16] : memref<32x79x128xi32, #tpu.memory_space<hbm>> -> memref<1x79x128xi32, #tpu.memory_space<hbm>>
      %dma_start3A_18 = tpu.memref_squeeze %dma_start3A_17 : memref<1x79x128xi32, #tpu.memory_space<hbm>> -> memref<79x128xi32, #tpu.memory_space<hbm>>
      %dma_start3A_19 = arith.constant 0 : i32
      %dma_start3A_20 = arith.constant 0 : i32
      %dma_start3A_21 = tpu.memref_slice %arg3[%add3A, %dma_start3A_19, %dma_start3A_20] : memref<32x79x128xi32, #tpu.memory_space<hbm>> -> memref<1x79x128xi32, #tpu.memory_space<hbm>>
      %dma_start3A_22 = tpu.memref_squeeze %dma_start3A_21 : memref<1x79x128xi32, #tpu.memory_space<hbm>> -> memref<79x128xi32, #tpu.memory_space<hbm>>
      tpu.enqueue_dma source(%dma_start3A_22 : memref<79x128xi32, #tpu.memory_space<hbm>>) target(%arg8 : memref<79x128xi32, #tpu.memory_space<vmem>>) target_semaphore(%run_scoped3A : memref<!tpu.dma_semaphore, #tpu.memory_space<semaphore_mem>>)
      %dma_wait3A = arith.constant 0 : i32
      %dma_wait3A_23 = arith.constant 0 : i32
      %dma_wait3A_24 = tpu.memref_slice %arg3[%add3A, %dma_wait3A, %dma_wait3A_23] : memref<32x79x128xi32, #tpu.memory_space<hbm>> -> memref<1x79x128xi32, #tpu.memory_space<hbm>>
      %dma_wait3A_25 = tpu.memref_squeeze %dma_wait3A_24 : memref<1x79x128xi32, #tpu.memory_space<hbm>> -> memref<79x128xi32, #tpu.memory_space<hbm>>
      %dma_wait3A_26 = arith.constant 0 : i32
      %dma_wait3A_27 = arith.constant 0 : i32
      %dma_wait3A_28 = tpu.memref_slice %arg3[%add3A, %dma_wait3A_26, %dma_wait3A_27] : memref<32x79x128xi32, #tpu.memory_space<hbm>> -> memref<1x79x128xi32, #tpu.memory_space<hbm>>
      %dma_wait3A_29 = tpu.memref_squeeze %dma_wait3A_28 : memref<1x79x128xi32, #tpu.memory_space<hbm>> -> memref<79x128xi32, #tpu.memory_space<hbm>>
      tpu.wait_dma2 semaphore(%run_scoped3A : memref<!tpu.dma_semaphore, #tpu.memory_space<semaphore_mem>>) src(%dma_wait3A_29 : memref<79x128xi32, #tpu.memory_space<hbm>>) dst(%arg8 : memref<79x128xi32, #tpu.memory_space<vmem>>)
      tpu.yield
    }) : () -> ()
    "tpu.region"() ({
      %run_scoped3A = tpu.sem_alloc : memref<!tpu.dma_semaphore, #tpu.memory_space<semaphore_mem>>
      %dma_start3A = arith.constant 0 : i32
      %dma_start3A_16 = arith.constant 0 : i32
      %dma_start3A_17 = tpu.memref_slice %arg4[%add3A, %dma_start3A, %dma_start3A_16] : memref<32x79x128xi32, #tpu.memory_space<hbm>> -> memref<1x79x128xi32, #tpu.memory_space<hbm>>
      %dma_start3A_18 = tpu.memref_squeeze %dma_start3A_17 : memref<1x79x128xi32, #tpu.memory_space<hbm>> -> memref<79x128xi32, #tpu.memory_space<hbm>>
      %dma_start3A_19 = arith.constant 0 : i32
      %dma_start3A_20 = arith.constant 0 : i32
      %dma_start3A_21 = tpu.memref_slice %arg4[%add3A, %dma_start3A_19, %dma_start3A_20] : memref<32x79x128xi32, #tpu.memory_space<hbm>> -> memref<1x79x128xi32, #tpu.memory_space<hbm>>
      %dma_start3A_22 = tpu.memref_squeeze %dma_start3A_21 : memref<1x79x128xi32, #tpu.memory_space<hbm>> -> memref<79x128xi32, #tpu.memory_space<hbm>>
      tpu.enqueue_dma source(%dma_start3A_22 : memref<79x128xi32, #tpu.memory_space<hbm>>) target(%arg9 : memref<79x128xi32, #tpu.memory_space<vmem>>) target_semaphore(%run_scoped3A : memref<!tpu.dma_semaphore, #tpu.memory_space<semaphore_mem>>)
      %dma_wait3A = arith.constant 0 : i32
      %dma_wait3A_23 = arith.constant 0 : i32
      %dma_wait3A_24 = tpu.memref_slice %arg4[%add3A, %dma_wait3A, %dma_wait3A_23] : memref<32x79x128xi32, #tpu.memory_space<hbm>> -> memref<1x79x128xi32, #tpu.memory_space<hbm>>
      %dma_wait3A_25 = tpu.memref_squeeze %dma_wait3A_24 : memref<1x79x128xi32, #tpu.memory_space<hbm>> -> memref<79x128xi32, #tpu.memory_space<hbm>>
      %dma_wait3A_26 = arith.constant 0 : i32
      %dma_wait3A_27 = arith.constant 0 : i32
      %dma_wait3A_28 = tpu.memref_slice %arg4[%add3A, %dma_wait3A_26, %dma_wait3A_27] : memref<32x79x128xi32, #tpu.memory_space<hbm>> -> memref<1x79x128xi32, #tpu.memory_space<hbm>>
      %dma_wait3A_29 = tpu.memref_squeeze %dma_wait3A_28 : memref<1x79x128xi32, #tpu.memory_space<hbm>> -> memref<79x128xi32, #tpu.memory_space<hbm>>
      tpu.wait_dma2 semaphore(%run_scoped3A : memref<!tpu.dma_semaphore, #tpu.memory_space<semaphore_mem>>) src(%dma_wait3A_29 : memref<79x128xi32, #tpu.memory_space<hbm>>) dst(%arg9 : memref<79x128xi32, #tpu.memory_space<vmem>>)
      tpu.yield
    }) : () -> ()
    %scan3A = arith.constant 0 : i32
    %scan3A_3 = arith.constant 0 : i32
    %scan3A_4 = arith.constant 79 : i32
    %scan3A_5 = arith.addi %scan3A_3, %scan3A_4 : i32
    %scan3A_6 = arith.constant 1 : i32
    scf.for %scan3A_16 = %scan3A_3 to %scan3A_5 step %scan3A_6  : i32 {
      %dma_start3A = arith.constant 0 : i32
      %dma_start3A_17 = tpu.memref_slice %arg8[%scan3A_16, %dma_start3A] : memref<79x128xi32, #tpu.memory_space<vmem>> -> memref<1x128xi32, #tpu.memory_space<vmem>>
      %dma_start3A_18 = tpu.memref_squeeze %dma_start3A_17 : memref<1x128xi32, #tpu.memory_space<vmem>> -> memref<128xi32, #tpu.memory_space<vmem>>
      %dma_start3A_19 = arith.constant 0 : i32
      %dma_start3A_20 = arith.constant 0 : i32
      %dma_start3A_21 = tpu.memref_slice %arg2[%dma_start3A_19, %dma_start3A_20] : memref<10000x128xf32, #tpu.memory_space<hbm>> -> memref<10000x128xf32, #tpu.memory_space<hbm>>
      tpu.enqueue_indirect_dma source(%dma_start3A_21 : memref<10000x128xf32, #tpu.memory_space<hbm>>) target(%arg10 : memref<128x128xf32, #tpu.memory_space<vmem>>) offsets(%dma_start3A_18 : memref<128xi32, #tpu.memory_space<vmem>>) semaphore(%arg12 : memref<!tpu.dma_semaphore, #tpu.memory_space<semaphore_mem>>)
      %dma_wait3A = arith.constant 0 : i32
      %dma_wait3A_22 = tpu.memref_slice %arg8[%scan3A_16, %dma_wait3A] : memref<79x128xi32, #tpu.memory_space<vmem>> -> memref<1x128xi32, #tpu.memory_space<vmem>>
      %dma_wait3A_23 = tpu.memref_squeeze %dma_wait3A_22 : memref<1x128xi32, #tpu.memory_space<vmem>> -> memref<128xi32, #tpu.memory_space<vmem>>
      %dma_wait3A_24 = arith.constant 0 : i32
      %dma_wait3A_25 = arith.constant 0 : i32
      %dma_wait3A_26 = tpu.memref_slice %arg2[%dma_wait3A_24, %dma_wait3A_25] : memref<10000x128xf32, #tpu.memory_space<hbm>> -> memref<10000x128xf32, #tpu.memory_space<hbm>>
      tpu.wait_indirect_dma semaphore(%arg12 : memref<!tpu.dma_semaphore, #tpu.memory_space<semaphore_mem>>) src(%dma_wait3A_26 : memref<10000x128xf32, #tpu.memory_space<hbm>>) dst(%arg10 : memref<128x128xf32, #tpu.memory_space<vmem>>)
      "tpu.region"() ({
        %run_scoped3A = tpu.sem_alloc : memref<!tpu.dma_semaphore, #tpu.memory_space<semaphore_mem>>
        %dma_start3A_27 = arith.constant 0 : i32
        %dma_start3A_28 = tpu.memref_slice %arg9[%scan3A_16, %dma_start3A_27] : memref<79x128xi32, #tpu.memory_space<vmem>> -> memref<1x128xi32, #tpu.memory_space<vmem>>
        %dma_start3A_29 = tpu.memref_squeeze %dma_start3A_28 : memref<1x128xi32, #tpu.memory_space<vmem>> -> memref<128xi32, #tpu.memory_space<vmem>>
        %dma_start3A_30 = arith.constant 0 : i32
        %dma_start3A_31 = arith.constant 0 : i32
        %dma_start3A_32 = tpu.memref_slice %arg11[%dma_start3A_30, %dma_start3A_31] : memref<10240x128xf32, #tpu.memory_space<vmem_shared>> -> memref<10240x128xf32, #tpu.memory_space<vmem_shared>>
        tpu.enqueue_indirect_dma source(%arg10 : memref<128x128xf32, #tpu.memory_space<vmem>>) target(%dma_start3A_32 : memref<10240x128xf32, #tpu.memory_space<vmem_shared>>) offsets(%dma_start3A_29 : memref<128xi32, #tpu.memory_space<vmem>>) semaphore(%run_scoped3A : memref<!tpu.dma_semaphore, #tpu.memory_space<semaphore_mem>>) {add = true}
        %dma_wait3A_33 = arith.constant 0 : i32
        %dma_wait3A_34 = tpu.memref_slice %arg9[%scan3A_16, %dma_wait3A_33] : memref<79x128xi32, #tpu.memory_space<vmem>> -> memref<1x128xi32, #tpu.memory_space<vmem>>
        %dma_wait3A_35 = tpu.memref_squeeze %dma_wait3A_34 : memref<1x128xi32, #tpu.memory_space<vmem>> -> memref<128xi32, #tpu.memory_space<vmem>>
        %dma_wait3A_36 = arith.constant 0 : i32
        %dma_wait3A_37 = arith.constant 0 : i32
        %dma_wait3A_38 = tpu.memref_slice %arg11[%dma_wait3A_36, %dma_wait3A_37] : memref<10240x128xf32, #tpu.memory_space<vmem_shared>> -> memref<10240x128xf32, #tpu.memory_space<vmem_shared>>
        tpu.wait_indirect_dma semaphore(%run_scoped3A : memref<!tpu.dma_semaphore, #tpu.memory_space<semaphore_mem>>) src(%arg10 : memref<128x128xf32, #tpu.memory_space<vmem>>) dst(%dma_wait3A_38 : memref<10240x128xf32, #tpu.memory_space<vmem_shared>>)
        tpu.yield
      }) : () -> ()
    }
    %scan3A_7 = arith.constant 79 : i32
    %barrier3A_8 = arith.constant 0 : index
    tpu.barrier barrier_id(%barrier3A_8)
    %eq3A = arith.constant 0 : i32
    %eq3A_9 = arith.cmpi eq, %arg0, %eq3A : i32
    %convert_element_type3A = arith.extui %eq3A_9 : i1 to i32
    %cond3A = arith.constant 0 : i32
    %cond3A_10 = arith.cmpi ne, %convert_element_type3A, %cond3A : i32
    scf.if %cond3A_10 {
      "tpu.region"() ({
        %run_scoped3A = tpu.sem_alloc : memref<!tpu.dma_semaphore, #tpu.memory_space<semaphore_mem>>
        %dma_start3A = arith.constant 0 : i32
        %dma_start3A_16 = tpu.memref_slice %arg6[%multiple_of3A, %dma_start3A] : memref<10240x128xf32, #tpu.memory_space<hbm>> -> memref<640x128xf32, #tpu.memory_space<hbm>>
        %dma_start3A_17 = arith.constant 0 : i32
        %dma_start3A_18 = tpu.memref_slice %arg11[%multiple_of3A, %dma_start3A_17] : memref<10240x128xf32, #tpu.memory_space<vmem_shared>> -> memref<640x128xf32, #tpu.memory_space<vmem_shared>>
        tpu.enqueue_dma source(%dma_start3A_18 : memref<640x128xf32, #tpu.memory_space<vmem_shared>>) target(%dma_start3A_16 : memref<640x128xf32, #tpu.memory_space<hbm>>) target_semaphore(%run_scoped3A : memref<!tpu.dma_semaphore, #tpu.memory_space<semaphore_mem>>)
        %dma_wait3A = arith.constant 0 : i32
        %dma_wait3A_19 = tpu.memref_slice %arg6[%multiple_of3A, %dma_wait3A] : memref<10240x128xf32, #tpu.memory_space<hbm>> -> memref<640x128xf32, #tpu.memory_space<hbm>>
        %dma_wait3A_20 = arith.constant 0 : i32
        %dma_wait3A_21 = tpu.memref_slice %arg11[%multiple_of3A, %dma_wait3A_20] : memref<10240x128xf32, #tpu.memory_space<vmem_shared>> -> memref<640x128xf32, #tpu.memory_space<vmem_shared>>
        tpu.wait_dma2 semaphore(%run_scoped3A : memref<!tpu.dma_semaphore, #tpu.memory_space<semaphore_mem>>) src(%dma_wait3A_21 : memref<640x128xf32, #tpu.memory_space<vmem_shared>>) dst(%dma_wait3A_19 : memref<640x128xf32, #tpu.memory_space<hbm>>)
        tpu.yield
      }) : () -> ()
    } else {
    }
    %eq3A_11 = arith.constant 1 : i32
    %eq3A_12 = arith.cmpi eq, %arg0, %eq3A_11 : i32
    %convert_element_type3A_13 = arith.extui %eq3A_12 : i1 to i32
    %cond3A_14 = arith.constant 0 : i32
    %cond3A_15 = arith.cmpi ne, %convert_element_type3A_13, %cond3A_14 : i32
    scf.if %cond3A_15 {
      "tpu.region"() ({
        %run_scoped3A = tpu.sem_alloc : memref<!tpu.dma_semaphore, #tpu.memory_space<semaphore_mem>>
        %dma_start3A = arith.constant 0 : i32
        %dma_start3A_16 = tpu.memref_slice %arg7[%multiple_of3A, %dma_start3A] : memref<10240x128xf32, #tpu.memory_space<hbm>> -> memref<640x128xf32, #tpu.memory_space<hbm>>
        %dma_start3A_17 = arith.constant 0 : i32
        %dma_start3A_18 = tpu.memref_slice %arg11[%multiple_of3A, %dma_start3A_17] : memref<10240x128xf32, #tpu.memory_space<vmem_shared>> -> memref<640x128xf32, #tpu.memory_space<vmem_shared>>
        tpu.enqueue_dma source(%dma_start3A_18 : memref<640x128xf32, #tpu.memory_space<vmem_shared>>) target(%dma_start3A_16 : memref<640x128xf32, #tpu.memory_space<hbm>>) target_semaphore(%run_scoped3A : memref<!tpu.dma_semaphore, #tpu.memory_space<semaphore_mem>>)
        %dma_wait3A = arith.constant 0 : i32
        %dma_wait3A_19 = tpu.memref_slice %arg7[%multiple_of3A, %dma_wait3A] : memref<10240x128xf32, #tpu.memory_space<hbm>> -> memref<640x128xf32, #tpu.memory_space<hbm>>
        %dma_wait3A_20 = arith.constant 0 : i32
        %dma_wait3A_21 = tpu.memref_slice %arg11[%multiple_of3A, %dma_wait3A_20] : memref<10240x128xf32, #tpu.memory_space<vmem_shared>> -> memref<640x128xf32, #tpu.memory_space<vmem_shared>>
        tpu.wait_dma2 semaphore(%run_scoped3A : memref<!tpu.dma_semaphore, #tpu.memory_space<semaphore_mem>>) src(%dma_wait3A_21 : memref<640x128xf32, #tpu.memory_space<vmem_shared>>) dst(%dma_wait3A_19 : memref<640x128xf32, #tpu.memory_space<hbm>>)
        tpu.yield
      }) : () -> ()
    } else {
    }
    return
  }
}

#map = affine_map<(d0, d1) -> (0, 0)>
#map1 = affine_map<(d0, d1) -> (0, 0, 0)>
module attributes {stable_mosaic.version = 14 : i64} {
  func.func @_sc_agg2_body(%arg0: i32, %arg1: i32, %arg2: memref<10000x128xf32, #tpu.memory_space<hbm>>, %arg3: memref<32x79x128xi32, #tpu.memory_space<hbm>>, %arg4: memref<32x79x128xi32, #tpu.memory_space<hbm>>, %arg5: memref<640x128xf32, #tpu.memory_space<hbm>>, %arg6: memref<10000x128xf32, #tpu.memory_space<hbm>>, %arg7: memref<16x5x128xi32, #tpu.memory_space<hbm>>, %arg8: memref<32x3x128xi32, #tpu.memory_space<hbm>>, %arg9: memref<10240x128xf32, #tpu.memory_space<hbm>>, %arg10: memref<10240x128xf32, #tpu.memory_space<hbm>>, %arg11: memref<10240x128xf32, #tpu.memory_space<hbm>>, %arg12: memref<10240x128xf32, #tpu.memory_space<hbm>>, %arg13: memref<12288x128xf32, #tpu.memory_space<hbm>>, %arg14: memref<79x128xi32, #tpu.memory_space<vmem>>, %arg15: memref<79x128xi32, #tpu.memory_space<vmem>>, %arg16: memref<128x128xf32, #tpu.memory_space<vmem>>, %arg17: memref<5x128xi32, #tpu.memory_space<vmem>>, %arg18: memref<3x128xi32, #tpu.memory_space<vmem>>, %arg19: memref<10240x128xf32, #tpu.memory_space<vmem_shared>>, %arg20: memref<!tpu.dma_semaphore, #tpu.memory_space<semaphore_mem>>) attributes {dimension_semantics = [#tpu.dimension_semantics<core_parallel>, #tpu.dimension_semantics<subcore_parallel>], iteration_bounds = array<i64: 2, 16>, scalar_prefetch = 0 : i64, scratch_operands = 7 : i64, tpu.core_type = #tpu.core_type<sc_vector_subcore>, window_params = [{transform_indices = #map}, {transform_indices = #map1}, {transform_indices = #map1}, {transform_indices = #map}, {transform_indices = #map}, {transform_indices = #map1}, {transform_indices = #map1}, {transform_indices = #map}, {transform_indices = #map}, {transform_indices = #map}, {transform_indices = #map}, {transform_indices = #map}]} {
    %mul3A = arith.constant 16 : i32
    %mul3A_0 = arith.muli %arg0, %mul3A : i32
    %add3A = arith.addi %mul3A_0, %arg1 : i32
    %mul3A_1 = arith.constant 640 : i32
    %mul3A_2 = arith.muli %arg1, %mul3A_1 : i32
    %multiple_of3A = tpu.assume_multiple %mul3A_2, 640 : i32
    "tpu.region"() ({
      %run_scoped3A = tpu.sem_alloc : memref<!tpu.dma_semaphore, #tpu.memory_space<semaphore_mem>>
      %dma_start3A_147 = arith.constant 0 : i32
      %dma_start3A_148 = tpu.memref_slice %arg19[%multiple_of3A, %dma_start3A_147] : memref<10240x128xf32, #tpu.memory_space<vmem_shared>> -> memref<640x128xf32, #tpu.memory_space<vmem_shared>>
      tpu.enqueue_dma source(%arg5 : memref<640x128xf32, #tpu.memory_space<hbm>>) target(%dma_start3A_148 : memref<640x128xf32, #tpu.memory_space<vmem_shared>>) target_semaphore(%run_scoped3A : memref<!tpu.dma_semaphore, #tpu.memory_space<semaphore_mem>>)
      %dma_wait3A_149 = arith.constant 0 : i32
      %dma_wait3A_150 = tpu.memref_slice %arg19[%multiple_of3A, %dma_wait3A_149] : memref<10240x128xf32, #tpu.memory_space<vmem_shared>> -> memref<640x128xf32, #tpu.memory_space<vmem_shared>>
      tpu.wait_dma2 semaphore(%run_scoped3A : memref<!tpu.dma_semaphore, #tpu.memory_space<semaphore_mem>>) src(%arg5 : memref<640x128xf32, #tpu.memory_space<hbm>>) dst(%dma_wait3A_150 : memref<640x128xf32, #tpu.memory_space<vmem_shared>>)
      tpu.yield
    }) : () -> ()
    "tpu.region"() ({
      %run_scoped3A = tpu.sem_alloc : memref<!tpu.dma_semaphore, #tpu.memory_space<semaphore_mem>>
      %dma_start3A_147 = arith.constant 0 : i32
      %dma_start3A_148 = arith.constant 0 : i32
      %dma_start3A_149 = tpu.memref_slice %arg3[%add3A, %dma_start3A_147, %dma_start3A_148] : memref<32x79x128xi32, #tpu.memory_space<hbm>> -> memref<1x79x128xi32, #tpu.memory_space<hbm>>
      %dma_start3A_150 = tpu.memref_squeeze %dma_start3A_149 : memref<1x79x128xi32, #tpu.memory_space<hbm>> -> memref<79x128xi32, #tpu.memory_space<hbm>>
      %dma_start3A_151 = arith.constant 0 : i32
      %dma_start3A_152 = arith.constant 0 : i32
      %dma_start3A_153 = tpu.memref_slice %arg3[%add3A, %dma_start3A_151, %dma_start3A_152] : memref<32x79x128xi32, #tpu.memory_space<hbm>> -> memref<1x79x128xi32, #tpu.memory_space<hbm>>
      %dma_start3A_154 = tpu.memref_squeeze %dma_start3A_153 : memref<1x79x128xi32, #tpu.memory_space<hbm>> -> memref<79x128xi32, #tpu.memory_space<hbm>>
      tpu.enqueue_dma source(%dma_start3A_154 : memref<79x128xi32, #tpu.memory_space<hbm>>) target(%arg14 : memref<79x128xi32, #tpu.memory_space<vmem>>) target_semaphore(%run_scoped3A : memref<!tpu.dma_semaphore, #tpu.memory_space<semaphore_mem>>)
      %dma_wait3A_155 = arith.constant 0 : i32
      %dma_wait3A_156 = arith.constant 0 : i32
      %dma_wait3A_157 = tpu.memref_slice %arg3[%add3A, %dma_wait3A_155, %dma_wait3A_156] : memref<32x79x128xi32, #tpu.memory_space<hbm>> -> memref<1x79x128xi32, #tpu.memory_space<hbm>>
      %dma_wait3A_158 = tpu.memref_squeeze %dma_wait3A_157 : memref<1x79x128xi32, #tpu.memory_space<hbm>> -> memref<79x128xi32, #tpu.memory_space<hbm>>
      %dma_wait3A_159 = arith.constant 0 : i32
      %dma_wait3A_160 = arith.constant 0 : i32
      %dma_wait3A_161 = tpu.memref_slice %arg3[%add3A, %dma_wait3A_159, %dma_wait3A_160] : memref<32x79x128xi32, #tpu.memory_space<hbm>> -> memref<1x79x128xi32, #tpu.memory_space<hbm>>
      %dma_wait3A_162 = tpu.memref_squeeze %dma_wait3A_161 : memref<1x79x128xi32, #tpu.memory_space<hbm>> -> memref<79x128xi32, #tpu.memory_space<hbm>>
      tpu.wait_dma2 semaphore(%run_scoped3A : memref<!tpu.dma_semaphore, #tpu.memory_space<semaphore_mem>>) src(%dma_wait3A_162 : memref<79x128xi32, #tpu.memory_space<hbm>>) dst(%arg14 : memref<79x128xi32, #tpu.memory_space<vmem>>)
      tpu.yield
    }) : () -> ()
    "tpu.region"() ({
      %run_scoped3A = tpu.sem_alloc : memref<!tpu.dma_semaphore, #tpu.memory_space<semaphore_mem>>
      %dma_start3A_147 = arith.constant 0 : i32
      %dma_start3A_148 = arith.constant 0 : i32
      %dma_start3A_149 = tpu.memref_slice %arg4[%add3A, %dma_start3A_147, %dma_start3A_148] : memref<32x79x128xi32, #tpu.memory_space<hbm>> -> memref<1x79x128xi32, #tpu.memory_space<hbm>>
      %dma_start3A_150 = tpu.memref_squeeze %dma_start3A_149 : memref<1x79x128xi32, #tpu.memory_space<hbm>> -> memref<79x128xi32, #tpu.memory_space<hbm>>
      %dma_start3A_151 = arith.constant 0 : i32
      %dma_start3A_152 = arith.constant 0 : i32
      %dma_start3A_153 = tpu.memref_slice %arg4[%add3A, %dma_start3A_151, %dma_start3A_152] : memref<32x79x128xi32, #tpu.memory_space<hbm>> -> memref<1x79x128xi32, #tpu.memory_space<hbm>>
      %dma_start3A_154 = tpu.memref_squeeze %dma_start3A_153 : memref<1x79x128xi32, #tpu.memory_space<hbm>> -> memref<79x128xi32, #tpu.memory_space<hbm>>
      tpu.enqueue_dma source(%dma_start3A_154 : memref<79x128xi32, #tpu.memory_space<hbm>>) target(%arg15 : memref<79x128xi32, #tpu.memory_space<vmem>>) target_semaphore(%run_scoped3A : memref<!tpu.dma_semaphore, #tpu.memory_space<semaphore_mem>>)
      %dma_wait3A_155 = arith.constant 0 : i32
      %dma_wait3A_156 = arith.constant 0 : i32
      %dma_wait3A_157 = tpu.memref_slice %arg4[%add3A, %dma_wait3A_155, %dma_wait3A_156] : memref<32x79x128xi32, #tpu.memory_space<hbm>> -> memref<1x79x128xi32, #tpu.memory_space<hbm>>
      %dma_wait3A_158 = tpu.memref_squeeze %dma_wait3A_157 : memref<1x79x128xi32, #tpu.memory_space<hbm>> -> memref<79x128xi32, #tpu.memory_space<hbm>>
      %dma_wait3A_159 = arith.constant 0 : i32
      %dma_wait3A_160 = arith.constant 0 : i32
      %dma_wait3A_161 = tpu.memref_slice %arg4[%add3A, %dma_wait3A_159, %dma_wait3A_160] : memref<32x79x128xi32, #tpu.memory_space<hbm>> -> memref<1x79x128xi32, #tpu.memory_space<hbm>>
      %dma_wait3A_162 = tpu.memref_squeeze %dma_wait3A_161 : memref<1x79x128xi32, #tpu.memory_space<hbm>> -> memref<79x128xi32, #tpu.memory_space<hbm>>
      tpu.wait_dma2 semaphore(%run_scoped3A : memref<!tpu.dma_semaphore, #tpu.memory_space<semaphore_mem>>) src(%dma_wait3A_162 : memref<79x128xi32, #tpu.memory_space<hbm>>) dst(%arg15 : memref<79x128xi32, #tpu.memory_space<vmem>>)
      tpu.yield
    }) : () -> ()
    "tpu.region"() ({
      %run_scoped3A = tpu.sem_alloc : memref<!tpu.dma_semaphore, #tpu.memory_space<semaphore_mem>>
      %dma_start3A_147 = arith.constant 0 : i32
      %dma_start3A_148 = arith.constant 0 : i32
      %dma_start3A_149 = tpu.memref_slice %arg7[%arg1, %dma_start3A_147, %dma_start3A_148] : memref<16x5x128xi32, #tpu.memory_space<hbm>> -> memref<1x5x128xi32, #tpu.memory_space<hbm>>
      %dma_start3A_150 = tpu.memref_squeeze %dma_start3A_149 : memref<1x5x128xi32, #tpu.memory_space<hbm>> -> memref<5x128xi32, #tpu.memory_space<hbm>>
      %dma_start3A_151 = arith.constant 0 : i32
      %dma_start3A_152 = arith.constant 0 : i32
      %dma_start3A_153 = tpu.memref_slice %arg7[%arg1, %dma_start3A_151, %dma_start3A_152] : memref<16x5x128xi32, #tpu.memory_space<hbm>> -> memref<1x5x128xi32, #tpu.memory_space<hbm>>
      %dma_start3A_154 = tpu.memref_squeeze %dma_start3A_153 : memref<1x5x128xi32, #tpu.memory_space<hbm>> -> memref<5x128xi32, #tpu.memory_space<hbm>>
      tpu.enqueue_dma source(%dma_start3A_154 : memref<5x128xi32, #tpu.memory_space<hbm>>) target(%arg17 : memref<5x128xi32, #tpu.memory_space<vmem>>) target_semaphore(%run_scoped3A : memref<!tpu.dma_semaphore, #tpu.memory_space<semaphore_mem>>)
      %dma_wait3A_155 = arith.constant 0 : i32
      %dma_wait3A_156 = arith.constant 0 : i32
      %dma_wait3A_157 = tpu.memref_slice %arg7[%arg1, %dma_wait3A_155, %dma_wait3A_156] : memref<16x5x128xi32, #tpu.memory_space<hbm>> -> memref<1x5x128xi32, #tpu.memory_space<hbm>>
      %dma_wait3A_158 = tpu.memref_squeeze %dma_wait3A_157 : memref<1x5x128xi32, #tpu.memory_space<hbm>> -> memref<5x128xi32, #tpu.memory_space<hbm>>
      %dma_wait3A_159 = arith.constant 0 : i32
      %dma_wait3A_160 = arith.constant 0 : i32
      %dma_wait3A_161 = tpu.memref_slice %arg7[%arg1, %dma_wait3A_159, %dma_wait3A_160] : memref<16x5x128xi32, #tpu.memory_space<hbm>> -> memref<1x5x128xi32, #tpu.memory_space<hbm>>
      %dma_wait3A_162 = tpu.memref_squeeze %dma_wait3A_161 : memref<1x5x128xi32, #tpu.memory_space<hbm>> -> memref<5x128xi32, #tpu.memory_space<hbm>>
      tpu.wait_dma2 semaphore(%run_scoped3A : memref<!tpu.dma_semaphore, #tpu.memory_space<semaphore_mem>>) src(%dma_wait3A_162 : memref<5x128xi32, #tpu.memory_space<hbm>>) dst(%arg17 : memref<5x128xi32, #tpu.memory_space<vmem>>)
      tpu.yield
    }) : () -> ()
    "tpu.region"() ({
      %run_scoped3A = tpu.sem_alloc : memref<!tpu.dma_semaphore, #tpu.memory_space<semaphore_mem>>
      %dma_start3A_147 = arith.constant 0 : i32
      %dma_start3A_148 = arith.constant 0 : i32
      %dma_start3A_149 = tpu.memref_slice %arg8[%add3A, %dma_start3A_147, %dma_start3A_148] : memref<32x3x128xi32, #tpu.memory_space<hbm>> -> memref<1x3x128xi32, #tpu.memory_space<hbm>>
      %dma_start3A_150 = tpu.memref_squeeze %dma_start3A_149 : memref<1x3x128xi32, #tpu.memory_space<hbm>> -> memref<3x128xi32, #tpu.memory_space<hbm>>
      %dma_start3A_151 = arith.constant 0 : i32
      %dma_start3A_152 = arith.constant 0 : i32
      %dma_start3A_153 = tpu.memref_slice %arg8[%add3A, %dma_start3A_151, %dma_start3A_152] : memref<32x3x128xi32, #tpu.memory_space<hbm>> -> memref<1x3x128xi32, #tpu.memory_space<hbm>>
      %dma_start3A_154 = tpu.memref_squeeze %dma_start3A_153 : memref<1x3x128xi32, #tpu.memory_space<hbm>> -> memref<3x128xi32, #tpu.memory_space<hbm>>
      tpu.enqueue_dma source(%dma_start3A_154 : memref<3x128xi32, #tpu.memory_space<hbm>>) target(%arg18 : memref<3x128xi32, #tpu.memory_space<vmem>>) target_semaphore(%run_scoped3A : memref<!tpu.dma_semaphore, #tpu.memory_space<semaphore_mem>>)
      %dma_wait3A_155 = arith.constant 0 : i32
      %dma_wait3A_156 = arith.constant 0 : i32
      %dma_wait3A_157 = tpu.memref_slice %arg8[%add3A, %dma_wait3A_155, %dma_wait3A_156] : memref<32x3x128xi32, #tpu.memory_space<hbm>> -> memref<1x3x128xi32, #tpu.memory_space<hbm>>
      %dma_wait3A_158 = tpu.memref_squeeze %dma_wait3A_157 : memref<1x3x128xi32, #tpu.memory_space<hbm>> -> memref<3x128xi32, #tpu.memory_space<hbm>>
      %dma_wait3A_159 = arith.constant 0 : i32
      %dma_wait3A_160 = arith.constant 0 : i32
      %dma_wait3A_161 = tpu.memref_slice %arg8[%add3A, %dma_wait3A_159, %dma_wait3A_160] : memref<32x3x128xi32, #tpu.memory_space<hbm>> -> memref<1x3x128xi32, #tpu.memory_space<hbm>>
      %dma_wait3A_162 = tpu.memref_squeeze %dma_wait3A_161 : memref<1x3x128xi32, #tpu.memory_space<hbm>> -> memref<3x128xi32, #tpu.memory_space<hbm>>
      tpu.wait_dma2 semaphore(%run_scoped3A : memref<!tpu.dma_semaphore, #tpu.memory_space<semaphore_mem>>) src(%dma_wait3A_162 : memref<3x128xi32, #tpu.memory_space<hbm>>) dst(%arg18 : memref<3x128xi32, #tpu.memory_space<vmem>>)
      tpu.yield
    }) : () -> ()
    %barrier3A = arith.constant 0 : index
    tpu.barrier barrier_id(%barrier3A)
    %scan3A = arith.constant 0 : i32
    %scan3A_3 = arith.constant 0 : i32
    %scan3A_4 = arith.constant 79 : i32
    %scan3A_5 = arith.addi %scan3A_3, %scan3A_4 : i32
    %scan3A_6 = arith.constant 1 : i32
    scf.for %scan3A_147 = %scan3A_3 to %scan3A_5 step %scan3A_6  : i32 {
      %dma_start3A_148 = arith.constant 0 : i32
      %dma_start3A_149 = tpu.memref_slice %arg14[%scan3A_147, %dma_start3A_148] : memref<79x128xi32, #tpu.memory_space<vmem>> -> memref<1x128xi32, #tpu.memory_space<vmem>>
      %dma_start3A_150 = tpu.memref_squeeze %dma_start3A_149 : memref<1x128xi32, #tpu.memory_space<vmem>> -> memref<128xi32, #tpu.memory_space<vmem>>
      %dma_start3A_151 = arith.constant 0 : i32
      %dma_start3A_152 = arith.constant 0 : i32
      %dma_start3A_153 = tpu.memref_slice %arg2[%dma_start3A_151, %dma_start3A_152] : memref<10000x128xf32, #tpu.memory_space<hbm>> -> memref<10000x128xf32, #tpu.memory_space<hbm>>
      tpu.enqueue_indirect_dma source(%dma_start3A_153 : memref<10000x128xf32, #tpu.memory_space<hbm>>) target(%arg16 : memref<128x128xf32, #tpu.memory_space<vmem>>) offsets(%dma_start3A_150 : memref<128xi32, #tpu.memory_space<vmem>>) semaphore(%arg20 : memref<!tpu.dma_semaphore, #tpu.memory_space<semaphore_mem>>)
      %dma_wait3A_154 = arith.constant 0 : i32
      %dma_wait3A_155 = tpu.memref_slice %arg14[%scan3A_147, %dma_wait3A_154] : memref<79x128xi32, #tpu.memory_space<vmem>> -> memref<1x128xi32, #tpu.memory_space<vmem>>
      %dma_wait3A_156 = tpu.memref_squeeze %dma_wait3A_155 : memref<1x128xi32, #tpu.memory_space<vmem>> -> memref<128xi32, #tpu.memory_space<vmem>>
      %dma_wait3A_157 = arith.constant 0 : i32
      %dma_wait3A_158 = arith.constant 0 : i32
      %dma_wait3A_159 = tpu.memref_slice %arg2[%dma_wait3A_157, %dma_wait3A_158] : memref<10000x128xf32, #tpu.memory_space<hbm>> -> memref<10000x128xf32, #tpu.memory_space<hbm>>
      tpu.wait_indirect_dma semaphore(%arg20 : memref<!tpu.dma_semaphore, #tpu.memory_space<semaphore_mem>>) src(%dma_wait3A_159 : memref<10000x128xf32, #tpu.memory_space<hbm>>) dst(%arg16 : memref<128x128xf32, #tpu.memory_space<vmem>>)
      "tpu.region"() ({
        %run_scoped3A = tpu.sem_alloc : memref<!tpu.dma_semaphore, #tpu.memory_space<semaphore_mem>>
        %dma_start3A_160 = arith.constant 0 : i32
        %dma_start3A_161 = tpu.memref_slice %arg15[%scan3A_147, %dma_start3A_160] : memref<79x128xi32, #tpu.memory_space<vmem>> -> memref<1x128xi32, #tpu.memory_space<vmem>>
        %dma_start3A_162 = tpu.memref_squeeze %dma_start3A_161 : memref<1x128xi32, #tpu.memory_space<vmem>> -> memref<128xi32, #tpu.memory_space<vmem>>
        %dma_start3A_163 = arith.constant 0 : i32
        %dma_start3A_164 = arith.constant 0 : i32
        %dma_start3A_165 = tpu.memref_slice %arg19[%dma_start3A_163, %dma_start3A_164] : memref<10240x128xf32, #tpu.memory_space<vmem_shared>> -> memref<10240x128xf32, #tpu.memory_space<vmem_shared>>
        tpu.enqueue_indirect_dma source(%arg16 : memref<128x128xf32, #tpu.memory_space<vmem>>) target(%dma_start3A_165 : memref<10240x128xf32, #tpu.memory_space<vmem_shared>>) offsets(%dma_start3A_162 : memref<128xi32, #tpu.memory_space<vmem>>) semaphore(%run_scoped3A : memref<!tpu.dma_semaphore, #tpu.memory_space<semaphore_mem>>) {add = true}
        %dma_wait3A_166 = arith.constant 0 : i32
        %dma_wait3A_167 = tpu.memref_slice %arg15[%scan3A_147, %dma_wait3A_166] : memref<79x128xi32, #tpu.memory_space<vmem>> -> memref<1x128xi32, #tpu.memory_space<vmem>>
        %dma_wait3A_168 = tpu.memref_squeeze %dma_wait3A_167 : memref<1x128xi32, #tpu.memory_space<vmem>> -> memref<128xi32, #tpu.memory_space<vmem>>
        %dma_wait3A_169 = arith.constant 0 : i32
        %dma_wait3A_170 = arith.constant 0 : i32
        %dma_wait3A_171 = tpu.memref_slice %arg19[%dma_wait3A_169, %dma_wait3A_170] : memref<10240x128xf32, #tpu.memory_space<vmem_shared>> -> memref<10240x128xf32, #tpu.memory_space<vmem_shared>>
        tpu.wait_indirect_dma semaphore(%run_scoped3A : memref<!tpu.dma_semaphore, #tpu.memory_space<semaphore_mem>>) src(%arg16 : memref<128x128xf32, #tpu.memory_space<vmem>>) dst(%dma_wait3A_171 : memref<10240x128xf32, #tpu.memory_space<vmem_shared>>)
        tpu.yield
      }) : () -> ()
    }
    %scan3A_7 = arith.constant 79 : i32
    %barrier3A_8 = arith.constant 0 : index
    tpu.barrier barrier_id(%barrier3A_8)
    %eq3A = arith.constant 0 : i32
    %eq3A_9 = arith.cmpi eq, %arg0, %eq3A : i32
    %convert_element_type3A = arith.extui %eq3A_9 : i1 to i32
    %cond3A = arith.constant 0 : i32
    %cond3A_10 = arith.cmpi ne, %convert_element_type3A, %cond3A : i32
    scf.if %cond3A_10 {
      "tpu.region"() ({
        %run_scoped3A = tpu.sem_alloc : memref<!tpu.dma_semaphore, #tpu.memory_space<semaphore_mem>>
        %dma_start3A_147 = arith.constant 0 : i32
        %dma_start3A_148 = tpu.memref_slice %arg9[%multiple_of3A, %dma_start3A_147] : memref<10240x128xf32, #tpu.memory_space<hbm>> -> memref<640x128xf32, #tpu.memory_space<hbm>>
        %dma_start3A_149 = arith.constant 0 : i32
        %dma_start3A_150 = tpu.memref_slice %arg19[%multiple_of3A, %dma_start3A_149] : memref<10240x128xf32, #tpu.memory_space<vmem_shared>> -> memref<640x128xf32, #tpu.memory_space<vmem_shared>>
        tpu.enqueue_dma source(%dma_start3A_150 : memref<640x128xf32, #tpu.memory_space<vmem_shared>>) target(%dma_start3A_148 : memref<640x128xf32, #tpu.memory_space<hbm>>) target_semaphore(%run_scoped3A : memref<!tpu.dma_semaphore, #tpu.memory_space<semaphore_mem>>)
        %dma_wait3A_151 = arith.constant 0 : i32
        %dma_wait3A_152 = tpu.memref_slice %arg9[%multiple_of3A, %dma_wait3A_151] : memref<10240x128xf32, #tpu.memory_space<hbm>> -> memref<640x128xf32, #tpu.memory_space<hbm>>
        %dma_wait3A_153 = arith.constant 0 : i32
        %dma_wait3A_154 = tpu.memref_slice %arg19[%multiple_of3A, %dma_wait3A_153] : memref<10240x128xf32, #tpu.memory_space<vmem_shared>> -> memref<640x128xf32, #tpu.memory_space<vmem_shared>>
        tpu.wait_dma2 semaphore(%run_scoped3A : memref<!tpu.dma_semaphore, #tpu.memory_space<semaphore_mem>>) src(%dma_wait3A_154 : memref<640x128xf32, #tpu.memory_space<vmem_shared>>) dst(%dma_wait3A_152 : memref<640x128xf32, #tpu.memory_space<hbm>>)
        tpu.yield
      }) : () -> ()
    } else {
    }
    %eq3A_11 = arith.constant 1 : i32
    %eq3A_12 = arith.cmpi eq, %arg0, %eq3A_11 : i32
    %convert_element_type3A_13 = arith.extui %eq3A_12 : i1 to i32
    %cond3A_14 = arith.constant 0 : i32
    %cond3A_15 = arith.cmpi ne, %convert_element_type3A_13, %cond3A_14 : i32
    scf.if %cond3A_15 {
      "tpu.region"() ({
        %run_scoped3A = tpu.sem_alloc : memref<!tpu.dma_semaphore, #tpu.memory_space<semaphore_mem>>
        %dma_start3A_147 = arith.constant 0 : i32
        %dma_start3A_148 = tpu.memref_slice %arg10[%multiple_of3A, %dma_start3A_147] : memref<10240x128xf32, #tpu.memory_space<hbm>> -> memref<640x128xf32, #tpu.memory_space<hbm>>
        %dma_start3A_149 = arith.constant 0 : i32
        %dma_start3A_150 = tpu.memref_slice %arg19[%multiple_of3A, %dma_start3A_149] : memref<10240x128xf32, #tpu.memory_space<vmem_shared>> -> memref<640x128xf32, #tpu.memory_space<vmem_shared>>
        tpu.enqueue_dma source(%dma_start3A_150 : memref<640x128xf32, #tpu.memory_space<vmem_shared>>) target(%dma_start3A_148 : memref<640x128xf32, #tpu.memory_space<hbm>>) target_semaphore(%run_scoped3A : memref<!tpu.dma_semaphore, #tpu.memory_space<semaphore_mem>>)
        %dma_wait3A_151 = arith.constant 0 : i32
        %dma_wait3A_152 = tpu.memref_slice %arg10[%multiple_of3A, %dma_wait3A_151] : memref<10240x128xf32, #tpu.memory_space<hbm>> -> memref<640x128xf32, #tpu.memory_space<hbm>>
        %dma_wait3A_153 = arith.constant 0 : i32
        %dma_wait3A_154 = tpu.memref_slice %arg19[%multiple_of3A, %dma_wait3A_153] : memref<10240x128xf32, #tpu.memory_space<vmem_shared>> -> memref<640x128xf32, #tpu.memory_space<vmem_shared>>
        tpu.wait_dma2 semaphore(%run_scoped3A : memref<!tpu.dma_semaphore, #tpu.memory_space<semaphore_mem>>) src(%dma_wait3A_154 : memref<640x128xf32, #tpu.memory_space<vmem_shared>>) dst(%dma_wait3A_152 : memref<640x128xf32, #tpu.memory_space<hbm>>)
        tpu.yield
      }) : () -> ()
    } else {
    }
    %barrier3A_16 = arith.constant 0 : index
    tpu.barrier barrier_id(%barrier3A_16)
    %mul3A_17 = arith.constant 640 : i32
    %mul3A_18 = arith.muli %arg1, %mul3A_17 : i32
    %add3A_19 = arith.constant 0 : i32
    %add3A_20 = arith.addi %mul3A_18, %add3A_19 : i32
    %multiple_of3A_21 = tpu.assume_multiple %add3A_20, 128 : i32
    %eq3A_22 = arith.constant 0 : i32
    %eq3A_23 = arith.cmpi eq, %arg0, %eq3A_22 : i32
    %convert_element_type3A_24 = arith.extui %eq3A_23 : i1 to i32
    %cond3A_25 = arith.constant 0 : i32
    %cond3A_26 = arith.cmpi ne, %convert_element_type3A_24, %cond3A_25 : i32
    scf.if %cond3A_26 {
      %dma_start3A_147 = arith.constant 0 : i32
      %dma_start3A_148 = arith.constant 0 : i32
      %dma_start3A_149 = tpu.memref_slice %arg17[%dma_start3A_147, %dma_start3A_148] : memref<5x128xi32, #tpu.memory_space<vmem>> -> memref<1x128xi32, #tpu.memory_space<vmem>>
      %dma_start3A_150 = tpu.memref_squeeze %dma_start3A_149 : memref<1x128xi32, #tpu.memory_space<vmem>> -> memref<128xi32, #tpu.memory_space<vmem>>
      %dma_start3A_151 = arith.constant 0 : i32
      %dma_start3A_152 = arith.constant 0 : i32
      %dma_start3A_153 = tpu.memref_slice %arg9[%dma_start3A_151, %dma_start3A_152] : memref<10240x128xf32, #tpu.memory_space<hbm>> -> memref<10240x128xf32, #tpu.memory_space<hbm>>
      tpu.enqueue_indirect_dma source(%dma_start3A_153 : memref<10240x128xf32, #tpu.memory_space<hbm>>) target(%arg16 : memref<128x128xf32, #tpu.memory_space<vmem>>) offsets(%dma_start3A_150 : memref<128xi32, #tpu.memory_space<vmem>>) semaphore(%arg20 : memref<!tpu.dma_semaphore, #tpu.memory_space<semaphore_mem>>)
      %dma_wait3A_154 = arith.constant 0 : i32
      %dma_wait3A_155 = arith.constant 0 : i32
      %dma_wait3A_156 = tpu.memref_slice %arg17[%dma_wait3A_154, %dma_wait3A_155] : memref<5x128xi32, #tpu.memory_space<vmem>> -> memref<1x128xi32, #tpu.memory_space<vmem>>
      %dma_wait3A_157 = tpu.memref_squeeze %dma_wait3A_156 : memref<1x128xi32, #tpu.memory_space<vmem>> -> memref<128xi32, #tpu.memory_space<vmem>>
      %dma_wait3A_158 = arith.constant 0 : i32
      %dma_wait3A_159 = arith.constant 0 : i32
      %dma_wait3A_160 = tpu.memref_slice %arg9[%dma_wait3A_158, %dma_wait3A_159] : memref<10240x128xf32, #tpu.memory_space<hbm>> -> memref<10240x128xf32, #tpu.memory_space<hbm>>
      tpu.wait_indirect_dma semaphore(%arg20 : memref<!tpu.dma_semaphore, #tpu.memory_space<semaphore_mem>>) src(%dma_wait3A_160 : memref<10240x128xf32, #tpu.memory_space<hbm>>) dst(%arg16 : memref<128x128xf32, #tpu.memory_space<vmem>>)
      "tpu.region"() ({
        %run_scoped3A = tpu.sem_alloc : memref<!tpu.dma_semaphore, #tpu.memory_space<semaphore_mem>>
        %dma_start3A_161 = arith.constant 0 : i32
        %dma_start3A_162 = tpu.memref_slice %arg11[%multiple_of3A_21, %dma_start3A_161] : memref<10240x128xf32, #tpu.memory_space<hbm>> -> memref<128x128xf32, #tpu.memory_space<hbm>>
        %dma_start3A_163 = arith.constant 0 : i32
        %dma_start3A_164 = tpu.memref_slice %arg11[%multiple_of3A_21, %dma_start3A_163] : memref<10240x128xf32, #tpu.memory_space<hbm>> -> memref<128x128xf32, #tpu.memory_space<hbm>>
        tpu.enqueue_dma source(%arg16 : memref<128x128xf32, #tpu.memory_space<vmem>>) target(%dma_start3A_164 : memref<128x128xf32, #tpu.memory_space<hbm>>) target_semaphore(%run_scoped3A : memref<!tpu.dma_semaphore, #tpu.memory_space<semaphore_mem>>)
        %dma_wait3A_165 = arith.constant 0 : i32
        %dma_wait3A_166 = tpu.memref_slice %arg11[%multiple_of3A_21, %dma_wait3A_165] : memref<10240x128xf32, #tpu.memory_space<hbm>> -> memref<128x128xf32, #tpu.memory_space<hbm>>
        %dma_wait3A_167 = arith.constant 0 : i32
        %dma_wait3A_168 = tpu.memref_slice %arg11[%multiple_of3A_21, %dma_wait3A_167] : memref<10240x128xf32, #tpu.memory_space<hbm>> -> memref<128x128xf32, #tpu.memory_space<hbm>>
        tpu.wait_dma2 semaphore(%run_scoped3A : memref<!tpu.dma_semaphore, #tpu.memory_space<semaphore_mem>>) src(%arg16 : memref<128x128xf32, #tpu.memory_space<vmem>>) dst(%dma_wait3A_168 : memref<128x128xf32, #tpu.memory_space<hbm>>)
        tpu.yield
      }) : () -> ()
    } else {
    }
    %eq3A_27 = arith.constant 1 : i32
    %eq3A_28 = arith.cmpi eq, %arg0, %eq3A_27 : i32
    %convert_element_type3A_29 = arith.extui %eq3A_28 : i1 to i32
    %cond3A_30 = arith.constant 0 : i32
    %cond3A_31 = arith.cmpi ne, %convert_element_type3A_29, %cond3A_30 : i32
    scf.if %cond3A_31 {
      %dma_start3A_147 = arith.constant 0 : i32
      %dma_start3A_148 = arith.constant 0 : i32
      %dma_start3A_149 = tpu.memref_slice %arg17[%dma_start3A_147, %dma_start3A_148] : memref<5x128xi32, #tpu.memory_space<vmem>> -> memref<1x128xi32, #tpu.memory_space<vmem>>
      %dma_start3A_150 = tpu.memref_squeeze %dma_start3A_149 : memref<1x128xi32, #tpu.memory_space<vmem>> -> memref<128xi32, #tpu.memory_space<vmem>>
      %dma_start3A_151 = arith.constant 0 : i32
      %dma_start3A_152 = arith.constant 0 : i32
      %dma_start3A_153 = tpu.memref_slice %arg10[%dma_start3A_151, %dma_start3A_152] : memref<10240x128xf32, #tpu.memory_space<hbm>> -> memref<10240x128xf32, #tpu.memory_space<hbm>>
      tpu.enqueue_indirect_dma source(%dma_start3A_153 : memref<10240x128xf32, #tpu.memory_space<hbm>>) target(%arg16 : memref<128x128xf32, #tpu.memory_space<vmem>>) offsets(%dma_start3A_150 : memref<128xi32, #tpu.memory_space<vmem>>) semaphore(%arg20 : memref<!tpu.dma_semaphore, #tpu.memory_space<semaphore_mem>>)
      %dma_wait3A_154 = arith.constant 0 : i32
      %dma_wait3A_155 = arith.constant 0 : i32
      %dma_wait3A_156 = tpu.memref_slice %arg17[%dma_wait3A_154, %dma_wait3A_155] : memref<5x128xi32, #tpu.memory_space<vmem>> -> memref<1x128xi32, #tpu.memory_space<vmem>>
      %dma_wait3A_157 = tpu.memref_squeeze %dma_wait3A_156 : memref<1x128xi32, #tpu.memory_space<vmem>> -> memref<128xi32, #tpu.memory_space<vmem>>
      %dma_wait3A_158 = arith.constant 0 : i32
      %dma_wait3A_159 = arith.constant 0 : i32
      %dma_wait3A_160 = tpu.memref_slice %arg10[%dma_wait3A_158, %dma_wait3A_159] : memref<10240x128xf32, #tpu.memory_space<hbm>> -> memref<10240x128xf32, #tpu.memory_space<hbm>>
      tpu.wait_indirect_dma semaphore(%arg20 : memref<!tpu.dma_semaphore, #tpu.memory_space<semaphore_mem>>) src(%dma_wait3A_160 : memref<10240x128xf32, #tpu.memory_space<hbm>>) dst(%arg16 : memref<128x128xf32, #tpu.memory_space<vmem>>)
      "tpu.region"() ({
        %run_scoped3A = tpu.sem_alloc : memref<!tpu.dma_semaphore, #tpu.memory_space<semaphore_mem>>
        %dma_start3A_161 = arith.constant 0 : i32
        %dma_start3A_162 = tpu.memref_slice %arg12[%multiple_of3A_21, %dma_start3A_161] : memref<10240x128xf32, #tpu.memory_space<hbm>> -> memref<128x128xf32, #tpu.memory_space<hbm>>
        %dma_start3A_163 = arith.constant 0 : i32
        %dma_start3A_164 = tpu.memref_slice %arg12[%multiple_of3A_21, %dma_start3A_163] : memref<10240x128xf32, #tpu.memory_space<hbm>> -> memref<128x128xf32, #tpu.memory_space<hbm>>
        tpu.enqueue_dma source(%arg16 : memref<128x128xf32, #tpu.memory_space<vmem>>) target(%dma_start3A_164 : memref<128x128xf32, #tpu.memory_space<hbm>>) target_semaphore(%run_scoped3A : memref<!tpu.dma_semaphore, #tpu.memory_space<semaphore_mem>>)
        %dma_wait3A_165 = arith.constant 0 : i32
        %dma_wait3A_166 = tpu.memref_slice %arg12[%multiple_of3A_21, %dma_wait3A_165] : memref<10240x128xf32, #tpu.memory_space<hbm>> -> memref<128x128xf32, #tpu.memory_space<hbm>>
        %dma_wait3A_167 = arith.constant 0 : i32
        %dma_wait3A_168 = tpu.memref_slice %arg12[%multiple_of3A_21, %dma_wait3A_167] : memref<10240x128xf32, #tpu.memory_space<hbm>> -> memref<128x128xf32, #tpu.memory_space<hbm>>
        tpu.wait_dma2 semaphore(%run_scoped3A : memref<!tpu.dma_semaphore, #tpu.memory_space<semaphore_mem>>) src(%arg16 : memref<128x128xf32, #tpu.memory_space<vmem>>) dst(%dma_wait3A_168 : memref<128x128xf32, #tpu.memory_space<hbm>>)
        tpu.yield
      }) : () -> ()
    } else {
    }
    %mul3A_32 = arith.constant 640 : i32
    %mul3A_33 = arith.muli %arg1, %mul3A_32 : i32
    %add3A_34 = arith.constant 128 : i32
    %add3A_35 = arith.addi %mul3A_33, %add3A_34 : i32
    %multiple_of3A_36 = tpu.assume_multiple %add3A_35, 128 : i32
    %eq3A_37 = arith.constant 0 : i32
    %eq3A_38 = arith.cmpi eq, %arg0, %eq3A_37 : i32
    %convert_element_type3A_39 = arith.extui %eq3A_38 : i1 to i32
    %cond3A_40 = arith.constant 0 : i32
    %cond3A_41 = arith.cmpi ne, %convert_element_type3A_39, %cond3A_40 : i32
    scf.if %cond3A_41 {
      %dma_start3A_147 = arith.constant 1 : i32
      %dma_start3A_148 = arith.constant 0 : i32
      %dma_start3A_149 = tpu.memref_slice %arg17[%dma_start3A_147, %dma_start3A_148] : memref<5x128xi32, #tpu.memory_space<vmem>> -> memref<1x128xi32, #tpu.memory_space<vmem>>
      %dma_start3A_150 = tpu.memref_squeeze %dma_start3A_149 : memref<1x128xi32, #tpu.memory_space<vmem>> -> memref<128xi32, #tpu.memory_space<vmem>>
      %dma_start3A_151 = arith.constant 0 : i32
      %dma_start3A_152 = arith.constant 0 : i32
      %dma_start3A_153 = tpu.memref_slice %arg9[%dma_start3A_151, %dma_start3A_152] : memref<10240x128xf32, #tpu.memory_space<hbm>> -> memref<10240x128xf32, #tpu.memory_space<hbm>>
      tpu.enqueue_indirect_dma source(%dma_start3A_153 : memref<10240x128xf32, #tpu.memory_space<hbm>>) target(%arg16 : memref<128x128xf32, #tpu.memory_space<vmem>>) offsets(%dma_start3A_150 : memref<128xi32, #tpu.memory_space<vmem>>) semaphore(%arg20 : memref<!tpu.dma_semaphore, #tpu.memory_space<semaphore_mem>>)
      %dma_wait3A_154 = arith.constant 1 : i32
      %dma_wait3A_155 = arith.constant 0 : i32
      %dma_wait3A_156 = tpu.memref_slice %arg17[%dma_wait3A_154, %dma_wait3A_155] : memref<5x128xi32, #tpu.memory_space<vmem>> -> memref<1x128xi32, #tpu.memory_space<vmem>>
      %dma_wait3A_157 = tpu.memref_squeeze %dma_wait3A_156 : memref<1x128xi32, #tpu.memory_space<vmem>> -> memref<128xi32, #tpu.memory_space<vmem>>
      %dma_wait3A_158 = arith.constant 0 : i32
      %dma_wait3A_159 = arith.constant 0 : i32
      %dma_wait3A_160 = tpu.memref_slice %arg9[%dma_wait3A_158, %dma_wait3A_159] : memref<10240x128xf32, #tpu.memory_space<hbm>> -> memref<10240x128xf32, #tpu.memory_space<hbm>>
      tpu.wait_indirect_dma semaphore(%arg20 : memref<!tpu.dma_semaphore, #tpu.memory_space<semaphore_mem>>) src(%dma_wait3A_160 : memref<10240x128xf32, #tpu.memory_space<hbm>>) dst(%arg16 : memref<128x128xf32, #tpu.memory_space<vmem>>)
      "tpu.region"() ({
        %run_scoped3A = tpu.sem_alloc : memref<!tpu.dma_semaphore, #tpu.memory_space<semaphore_mem>>
        %dma_start3A_161 = arith.constant 0 : i32
        %dma_start3A_162 = tpu.memref_slice %arg11[%multiple_of3A_36, %dma_start3A_161] : memref<10240x128xf32, #tpu.memory_space<hbm>> -> memref<128x128xf32, #tpu.memory_space<hbm>>
        %dma_start3A_163 = arith.constant 0 : i32
        %dma_start3A_164 = tpu.memref_slice %arg11[%multiple_of3A_36, %dma_start3A_163] : memref<10240x128xf32, #tpu.memory_space<hbm>> -> memref<128x128xf32, #tpu.memory_space<hbm>>
        tpu.enqueue_dma source(%arg16 : memref<128x128xf32, #tpu.memory_space<vmem>>) target(%dma_start3A_164 : memref<128x128xf32, #tpu.memory_space<hbm>>) target_semaphore(%run_scoped3A : memref<!tpu.dma_semaphore, #tpu.memory_space<semaphore_mem>>)
        %dma_wait3A_165 = arith.constant 0 : i32
        %dma_wait3A_166 = tpu.memref_slice %arg11[%multiple_of3A_36, %dma_wait3A_165] : memref<10240x128xf32, #tpu.memory_space<hbm>> -> memref<128x128xf32, #tpu.memory_space<hbm>>
        %dma_wait3A_167 = arith.constant 0 : i32
        %dma_wait3A_168 = tpu.memref_slice %arg11[%multiple_of3A_36, %dma_wait3A_167] : memref<10240x128xf32, #tpu.memory_space<hbm>> -> memref<128x128xf32, #tpu.memory_space<hbm>>
        tpu.wait_dma2 semaphore(%run_scoped3A : memref<!tpu.dma_semaphore, #tpu.memory_space<semaphore_mem>>) src(%arg16 : memref<128x128xf32, #tpu.memory_space<vmem>>) dst(%dma_wait3A_168 : memref<128x128xf32, #tpu.memory_space<hbm>>)
        tpu.yield
      }) : () -> ()
    } else {
    }
    %eq3A_42 = arith.constant 1 : i32
    %eq3A_43 = arith.cmpi eq, %arg0, %eq3A_42 : i32
    %convert_element_type3A_44 = arith.extui %eq3A_43 : i1 to i32
    %cond3A_45 = arith.constant 0 : i32
    %cond3A_46 = arith.cmpi ne, %convert_element_type3A_44, %cond3A_45 : i32
    scf.if %cond3A_46 {
      %dma_start3A_147 = arith.constant 1 : i32
      %dma_start3A_148 = arith.constant 0 : i32
      %dma_start3A_149 = tpu.memref_slice %arg17[%dma_start3A_147, %dma_start3A_148] : memref<5x128xi32, #tpu.memory_space<vmem>> -> memref<1x128xi32, #tpu.memory_space<vmem>>
      %dma_start3A_150 = tpu.memref_squeeze %dma_start3A_149 : memref<1x128xi32, #tpu.memory_space<vmem>> -> memref<128xi32, #tpu.memory_space<vmem>>
      %dma_start3A_151 = arith.constant 0 : i32
      %dma_start3A_152 = arith.constant 0 : i32
      %dma_start3A_153 = tpu.memref_slice %arg10[%dma_start3A_151, %dma_start3A_152] : memref<10240x128xf32, #tpu.memory_space<hbm>> -> memref<10240x128xf32, #tpu.memory_space<hbm>>
      tpu.enqueue_indirect_dma source(%dma_start3A_153 : memref<10240x128xf32, #tpu.memory_space<hbm>>) target(%arg16 : memref<128x128xf32, #tpu.memory_space<vmem>>) offsets(%dma_start3A_150 : memref<128xi32, #tpu.memory_space<vmem>>) semaphore(%arg20 : memref<!tpu.dma_semaphore, #tpu.memory_space<semaphore_mem>>)
      %dma_wait3A_154 = arith.constant 1 : i32
      %dma_wait3A_155 = arith.constant 0 : i32
      %dma_wait3A_156 = tpu.memref_slice %arg17[%dma_wait3A_154, %dma_wait3A_155] : memref<5x128xi32, #tpu.memory_space<vmem>> -> memref<1x128xi32, #tpu.memory_space<vmem>>
      %dma_wait3A_157 = tpu.memref_squeeze %dma_wait3A_156 : memref<1x128xi32, #tpu.memory_space<vmem>> -> memref<128xi32, #tpu.memory_space<vmem>>
      %dma_wait3A_158 = arith.constant 0 : i32
      %dma_wait3A_159 = arith.constant 0 : i32
      %dma_wait3A_160 = tpu.memref_slice %arg10[%dma_wait3A_158, %dma_wait3A_159] : memref<10240x128xf32, #tpu.memory_space<hbm>> -> memref<10240x128xf32, #tpu.memory_space<hbm>>
      tpu.wait_indirect_dma semaphore(%arg20 : memref<!tpu.dma_semaphore, #tpu.memory_space<semaphore_mem>>) src(%dma_wait3A_160 : memref<10240x128xf32, #tpu.memory_space<hbm>>) dst(%arg16 : memref<128x128xf32, #tpu.memory_space<vmem>>)
      "tpu.region"() ({
        %run_scoped3A = tpu.sem_alloc : memref<!tpu.dma_semaphore, #tpu.memory_space<semaphore_mem>>
        %dma_start3A_161 = arith.constant 0 : i32
        %dma_start3A_162 = tpu.memref_slice %arg12[%multiple_of3A_36, %dma_start3A_161] : memref<10240x128xf32, #tpu.memory_space<hbm>> -> memref<128x128xf32, #tpu.memory_space<hbm>>
        %dma_start3A_163 = arith.constant 0 : i32
        %dma_start3A_164 = tpu.memref_slice %arg12[%multiple_of3A_36, %dma_start3A_163] : memref<10240x128xf32, #tpu.memory_space<hbm>> -> memref<128x128xf32, #tpu.memory_space<hbm>>
        tpu.enqueue_dma source(%arg16 : memref<128x128xf32, #tpu.memory_space<vmem>>) target(%dma_start3A_164 : memref<128x128xf32, #tpu.memory_space<hbm>>) target_semaphore(%run_scoped3A : memref<!tpu.dma_semaphore, #tpu.memory_space<semaphore_mem>>)
        %dma_wait3A_165 = arith.constant 0 : i32
        %dma_wait3A_166 = tpu.memref_slice %arg12[%multiple_of3A_36, %dma_wait3A_165] : memref<10240x128xf32, #tpu.memory_space<hbm>> -> memref<128x128xf32, #tpu.memory_space<hbm>>
        %dma_wait3A_167 = arith.constant 0 : i32
        %dma_wait3A_168 = tpu.memref_slice %arg12[%multiple_of3A_36, %dma_wait3A_167] : memref<10240x128xf32, #tpu.memory_space<hbm>> -> memref<128x128xf32, #tpu.memory_space<hbm>>
        tpu.wait_dma2 semaphore(%run_scoped3A : memref<!tpu.dma_semaphore, #tpu.memory_space<semaphore_mem>>) src(%arg16 : memref<128x128xf32, #tpu.memory_space<vmem>>) dst(%dma_wait3A_168 : memref<128x128xf32, #tpu.memory_space<hbm>>)
        tpu.yield
      }) : () -> ()
    } else {
    }
    %mul3A_47 = arith.constant 640 : i32
    %mul3A_48 = arith.muli %arg1, %mul3A_47 : i32
    %add3A_49 = arith.constant 256 : i32
    %add3A_50 = arith.addi %mul3A_48, %add3A_49 : i32
    %multiple_of3A_51 = tpu.assume_multiple %add3A_50, 128 : i32
    %eq3A_52 = arith.constant 0 : i32
    %eq3A_53 = arith.cmpi eq, %arg0, %eq3A_52 : i32
    %convert_element_type3A_54 = arith.extui %eq3A_53 : i1 to i32
    %cond3A_55 = arith.constant 0 : i32
    %cond3A_56 = arith.cmpi ne, %convert_element_type3A_54, %cond3A_55 : i32
    scf.if %cond3A_56 {
      %dma_start3A_147 = arith.constant 2 : i32
      %dma_start3A_148 = arith.constant 0 : i32
      %dma_start3A_149 = tpu.memref_slice %arg17[%dma_start3A_147, %dma_start3A_148] : memref<5x128xi32, #tpu.memory_space<vmem>> -> memref<1x128xi32, #tpu.memory_space<vmem>>
      %dma_start3A_150 = tpu.memref_squeeze %dma_start3A_149 : memref<1x128xi32, #tpu.memory_space<vmem>> -> memref<128xi32, #tpu.memory_space<vmem>>
      %dma_start3A_151 = arith.constant 0 : i32
      %dma_start3A_152 = arith.constant 0 : i32
      %dma_start3A_153 = tpu.memref_slice %arg9[%dma_start3A_151, %dma_start3A_152] : memref<10240x128xf32, #tpu.memory_space<hbm>> -> memref<10240x128xf32, #tpu.memory_space<hbm>>
      tpu.enqueue_indirect_dma source(%dma_start3A_153 : memref<10240x128xf32, #tpu.memory_space<hbm>>) target(%arg16 : memref<128x128xf32, #tpu.memory_space<vmem>>) offsets(%dma_start3A_150 : memref<128xi32, #tpu.memory_space<vmem>>) semaphore(%arg20 : memref<!tpu.dma_semaphore, #tpu.memory_space<semaphore_mem>>)
      %dma_wait3A_154 = arith.constant 2 : i32
      %dma_wait3A_155 = arith.constant 0 : i32
      %dma_wait3A_156 = tpu.memref_slice %arg17[%dma_wait3A_154, %dma_wait3A_155] : memref<5x128xi32, #tpu.memory_space<vmem>> -> memref<1x128xi32, #tpu.memory_space<vmem>>
      %dma_wait3A_157 = tpu.memref_squeeze %dma_wait3A_156 : memref<1x128xi32, #tpu.memory_space<vmem>> -> memref<128xi32, #tpu.memory_space<vmem>>
      %dma_wait3A_158 = arith.constant 0 : i32
      %dma_wait3A_159 = arith.constant 0 : i32
      %dma_wait3A_160 = tpu.memref_slice %arg9[%dma_wait3A_158, %dma_wait3A_159] : memref<10240x128xf32, #tpu.memory_space<hbm>> -> memref<10240x128xf32, #tpu.memory_space<hbm>>
      tpu.wait_indirect_dma semaphore(%arg20 : memref<!tpu.dma_semaphore, #tpu.memory_space<semaphore_mem>>) src(%dma_wait3A_160 : memref<10240x128xf32, #tpu.memory_space<hbm>>) dst(%arg16 : memref<128x128xf32, #tpu.memory_space<vmem>>)
      "tpu.region"() ({
        %run_scoped3A = tpu.sem_alloc : memref<!tpu.dma_semaphore, #tpu.memory_space<semaphore_mem>>
        %dma_start3A_161 = arith.constant 0 : i32
        %dma_start3A_162 = tpu.memref_slice %arg11[%multiple_of3A_51, %dma_start3A_161] : memref<10240x128xf32, #tpu.memory_space<hbm>> -> memref<128x128xf32, #tpu.memory_space<hbm>>
        %dma_start3A_163 = arith.constant 0 : i32
        %dma_start3A_164 = tpu.memref_slice %arg11[%multiple_of3A_51, %dma_start3A_163] : memref<10240x128xf32, #tpu.memory_space<hbm>> -> memref<128x128xf32, #tpu.memory_space<hbm>>
        tpu.enqueue_dma source(%arg16 : memref<128x128xf32, #tpu.memory_space<vmem>>) target(%dma_start3A_164 : memref<128x128xf32, #tpu.memory_space<hbm>>) target_semaphore(%run_scoped3A : memref<!tpu.dma_semaphore, #tpu.memory_space<semaphore_mem>>)
        %dma_wait3A_165 = arith.constant 0 : i32
        %dma_wait3A_166 = tpu.memref_slice %arg11[%multiple_of3A_51, %dma_wait3A_165] : memref<10240x128xf32, #tpu.memory_space<hbm>> -> memref<128x128xf32, #tpu.memory_space<hbm>>
        %dma_wait3A_167 = arith.constant 0 : i32
        %dma_wait3A_168 = tpu.memref_slice %arg11[%multiple_of3A_51, %dma_wait3A_167] : memref<10240x128xf32, #tpu.memory_space<hbm>> -> memref<128x128xf32, #tpu.memory_space<hbm>>
        tpu.wait_dma2 semaphore(%run_scoped3A : memref<!tpu.dma_semaphore, #tpu.memory_space<semaphore_mem>>) src(%arg16 : memref<128x128xf32, #tpu.memory_space<vmem>>) dst(%dma_wait3A_168 : memref<128x128xf32, #tpu.memory_space<hbm>>)
        tpu.yield
      }) : () -> ()
    } else {
    }
    %eq3A_57 = arith.constant 1 : i32
    %eq3A_58 = arith.cmpi eq, %arg0, %eq3A_57 : i32
    %convert_element_type3A_59 = arith.extui %eq3A_58 : i1 to i32
    %cond3A_60 = arith.constant 0 : i32
    %cond3A_61 = arith.cmpi ne, %convert_element_type3A_59, %cond3A_60 : i32
    scf.if %cond3A_61 {
      %dma_start3A_147 = arith.constant 2 : i32
      %dma_start3A_148 = arith.constant 0 : i32
      %dma_start3A_149 = tpu.memref_slice %arg17[%dma_start3A_147, %dma_start3A_148] : memref<5x128xi32, #tpu.memory_space<vmem>> -> memref<1x128xi32, #tpu.memory_space<vmem>>
      %dma_start3A_150 = tpu.memref_squeeze %dma_start3A_149 : memref<1x128xi32, #tpu.memory_space<vmem>> -> memref<128xi32, #tpu.memory_space<vmem>>
      %dma_start3A_151 = arith.constant 0 : i32
      %dma_start3A_152 = arith.constant 0 : i32
      %dma_start3A_153 = tpu.memref_slice %arg10[%dma_start3A_151, %dma_start3A_152] : memref<10240x128xf32, #tpu.memory_space<hbm>> -> memref<10240x128xf32, #tpu.memory_space<hbm>>
      tpu.enqueue_indirect_dma source(%dma_start3A_153 : memref<10240x128xf32, #tpu.memory_space<hbm>>) target(%arg16 : memref<128x128xf32, #tpu.memory_space<vmem>>) offsets(%dma_start3A_150 : memref<128xi32, #tpu.memory_space<vmem>>) semaphore(%arg20 : memref<!tpu.dma_semaphore, #tpu.memory_space<semaphore_mem>>)
      %dma_wait3A_154 = arith.constant 2 : i32
      %dma_wait3A_155 = arith.constant 0 : i32
      %dma_wait3A_156 = tpu.memref_slice %arg17[%dma_wait3A_154, %dma_wait3A_155] : memref<5x128xi32, #tpu.memory_space<vmem>> -> memref<1x128xi32, #tpu.memory_space<vmem>>
      %dma_wait3A_157 = tpu.memref_squeeze %dma_wait3A_156 : memref<1x128xi32, #tpu.memory_space<vmem>> -> memref<128xi32, #tpu.memory_space<vmem>>
      %dma_wait3A_158 = arith.constant 0 : i32
      %dma_wait3A_159 = arith.constant 0 : i32
      %dma_wait3A_160 = tpu.memref_slice %arg10[%dma_wait3A_158, %dma_wait3A_159] : memref<10240x128xf32, #tpu.memory_space<hbm>> -> memref<10240x128xf32, #tpu.memory_space<hbm>>
      tpu.wait_indirect_dma semaphore(%arg20 : memref<!tpu.dma_semaphore, #tpu.memory_space<semaphore_mem>>) src(%dma_wait3A_160 : memref<10240x128xf32, #tpu.memory_space<hbm>>) dst(%arg16 : memref<128x128xf32, #tpu.memory_space<vmem>>)
      "tpu.region"() ({
        %run_scoped3A = tpu.sem_alloc : memref<!tpu.dma_semaphore, #tpu.memory_space<semaphore_mem>>
        %dma_start3A_161 = arith.constant 0 : i32
        %dma_start3A_162 = tpu.memref_slice %arg12[%multiple_of3A_51, %dma_start3A_161] : memref<10240x128xf32, #tpu.memory_space<hbm>> -> memref<128x128xf32, #tpu.memory_space<hbm>>
        %dma_start3A_163 = arith.constant 0 : i32
        %dma_start3A_164 = tpu.memref_slice %arg12[%multiple_of3A_51, %dma_start3A_163] : memref<10240x128xf32, #tpu.memory_space<hbm>> -> memref<128x128xf32, #tpu.memory_space<hbm>>
        tpu.enqueue_dma source(%arg16 : memref<128x128xf32, #tpu.memory_space<vmem>>) target(%dma_start3A_164 : memref<128x128xf32, #tpu.memory_space<hbm>>) target_semaphore(%run_scoped3A : memref<!tpu.dma_semaphore, #tpu.memory_space<semaphore_mem>>)
        %dma_wait3A_165 = arith.constant 0 : i32
        %dma_wait3A_166 = tpu.memref_slice %arg12[%multiple_of3A_51, %dma_wait3A_165] : memref<10240x128xf32, #tpu.memory_space<hbm>> -> memref<128x128xf32, #tpu.memory_space<hbm>>
        %dma_wait3A_167 = arith.constant 0 : i32
        %dma_wait3A_168 = tpu.memref_slice %arg12[%multiple_of3A_51, %dma_wait3A_167] : memref<10240x128xf32, #tpu.memory_space<hbm>> -> memref<128x128xf32, #tpu.memory_space<hbm>>
        tpu.wait_dma2 semaphore(%run_scoped3A : memref<!tpu.dma_semaphore, #tpu.memory_space<semaphore_mem>>) src(%arg16 : memref<128x128xf32, #tpu.memory_space<vmem>>) dst(%dma_wait3A_168 : memref<128x128xf32, #tpu.memory_space<hbm>>)
        tpu.yield
      }) : () -> ()
    } else {
    }
    %mul3A_62 = arith.constant 640 : i32
    %mul3A_63 = arith.muli %arg1, %mul3A_62 : i32
    %add3A_64 = arith.constant 384 : i32
    %add3A_65 = arith.addi %mul3A_63, %add3A_64 : i32
    %multiple_of3A_66 = tpu.assume_multiple %add3A_65, 128 : i32
    %eq3A_67 = arith.constant 0 : i32
    %eq3A_68 = arith.cmpi eq, %arg0, %eq3A_67 : i32
    %convert_element_type3A_69 = arith.extui %eq3A_68 : i1 to i32
    %cond3A_70 = arith.constant 0 : i32
    %cond3A_71 = arith.cmpi ne, %convert_element_type3A_69, %cond3A_70 : i32
    scf.if %cond3A_71 {
      %dma_start3A_147 = arith.constant 3 : i32
      %dma_start3A_148 = arith.constant 0 : i32
      %dma_start3A_149 = tpu.memref_slice %arg17[%dma_start3A_147, %dma_start3A_148] : memref<5x128xi32, #tpu.memory_space<vmem>> -> memref<1x128xi32, #tpu.memory_space<vmem>>
      %dma_start3A_150 = tpu.memref_squeeze %dma_start3A_149 : memref<1x128xi32, #tpu.memory_space<vmem>> -> memref<128xi32, #tpu.memory_space<vmem>>
      %dma_start3A_151 = arith.constant 0 : i32
      %dma_start3A_152 = arith.constant 0 : i32
      %dma_start3A_153 = tpu.memref_slice %arg9[%dma_start3A_151, %dma_start3A_152] : memref<10240x128xf32, #tpu.memory_space<hbm>> -> memref<10240x128xf32, #tpu.memory_space<hbm>>
      tpu.enqueue_indirect_dma source(%dma_start3A_153 : memref<10240x128xf32, #tpu.memory_space<hbm>>) target(%arg16 : memref<128x128xf32, #tpu.memory_space<vmem>>) offsets(%dma_start3A_150 : memref<128xi32, #tpu.memory_space<vmem>>) semaphore(%arg20 : memref<!tpu.dma_semaphore, #tpu.memory_space<semaphore_mem>>)
      %dma_wait3A_154 = arith.constant 3 : i32
      %dma_wait3A_155 = arith.constant 0 : i32
      %dma_wait3A_156 = tpu.memref_slice %arg17[%dma_wait3A_154, %dma_wait3A_155] : memref<5x128xi32, #tpu.memory_space<vmem>> -> memref<1x128xi32, #tpu.memory_space<vmem>>
      %dma_wait3A_157 = tpu.memref_squeeze %dma_wait3A_156 : memref<1x128xi32, #tpu.memory_space<vmem>> -> memref<128xi32, #tpu.memory_space<vmem>>
      %dma_wait3A_158 = arith.constant 0 : i32
      %dma_wait3A_159 = arith.constant 0 : i32
      %dma_wait3A_160 = tpu.memref_slice %arg9[%dma_wait3A_158, %dma_wait3A_159] : memref<10240x128xf32, #tpu.memory_space<hbm>> -> memref<10240x128xf32, #tpu.memory_space<hbm>>
      tpu.wait_indirect_dma semaphore(%arg20 : memref<!tpu.dma_semaphore, #tpu.memory_space<semaphore_mem>>) src(%dma_wait3A_160 : memref<10240x128xf32, #tpu.memory_space<hbm>>) dst(%arg16 : memref<128x128xf32, #tpu.memory_space<vmem>>)
      "tpu.region"() ({
        %run_scoped3A = tpu.sem_alloc : memref<!tpu.dma_semaphore, #tpu.memory_space<semaphore_mem>>
        %dma_start3A_161 = arith.constant 0 : i32
        %dma_start3A_162 = tpu.memref_slice %arg11[%multiple_of3A_66, %dma_start3A_161] : memref<10240x128xf32, #tpu.memory_space<hbm>> -> memref<128x128xf32, #tpu.memory_space<hbm>>
        %dma_start3A_163 = arith.constant 0 : i32
        %dma_start3A_164 = tpu.memref_slice %arg11[%multiple_of3A_66, %dma_start3A_163] : memref<10240x128xf32, #tpu.memory_space<hbm>> -> memref<128x128xf32, #tpu.memory_space<hbm>>
        tpu.enqueue_dma source(%arg16 : memref<128x128xf32, #tpu.memory_space<vmem>>) target(%dma_start3A_164 : memref<128x128xf32, #tpu.memory_space<hbm>>) target_semaphore(%run_scoped3A : memref<!tpu.dma_semaphore, #tpu.memory_space<semaphore_mem>>)
        %dma_wait3A_165 = arith.constant 0 : i32
        %dma_wait3A_166 = tpu.memref_slice %arg11[%multiple_of3A_66, %dma_wait3A_165] : memref<10240x128xf32, #tpu.memory_space<hbm>> -> memref<128x128xf32, #tpu.memory_space<hbm>>
        %dma_wait3A_167 = arith.constant 0 : i32
        %dma_wait3A_168 = tpu.memref_slice %arg11[%multiple_of3A_66, %dma_wait3A_167] : memref<10240x128xf32, #tpu.memory_space<hbm>> -> memref<128x128xf32, #tpu.memory_space<hbm>>
        tpu.wait_dma2 semaphore(%run_scoped3A : memref<!tpu.dma_semaphore, #tpu.memory_space<semaphore_mem>>) src(%arg16 : memref<128x128xf32, #tpu.memory_space<vmem>>) dst(%dma_wait3A_168 : memref<128x128xf32, #tpu.memory_space<hbm>>)
        tpu.yield
      }) : () -> ()
    } else {
    }
    %eq3A_72 = arith.constant 1 : i32
    %eq3A_73 = arith.cmpi eq, %arg0, %eq3A_72 : i32
    %convert_element_type3A_74 = arith.extui %eq3A_73 : i1 to i32
    %cond3A_75 = arith.constant 0 : i32
    %cond3A_76 = arith.cmpi ne, %convert_element_type3A_74, %cond3A_75 : i32
    scf.if %cond3A_76 {
      %dma_start3A_147 = arith.constant 3 : i32
      %dma_start3A_148 = arith.constant 0 : i32
      %dma_start3A_149 = tpu.memref_slice %arg17[%dma_start3A_147, %dma_start3A_148] : memref<5x128xi32, #tpu.memory_space<vmem>> -> memref<1x128xi32, #tpu.memory_space<vmem>>
      %dma_start3A_150 = tpu.memref_squeeze %dma_start3A_149 : memref<1x128xi32, #tpu.memory_space<vmem>> -> memref<128xi32, #tpu.memory_space<vmem>>
      %dma_start3A_151 = arith.constant 0 : i32
      %dma_start3A_152 = arith.constant 0 : i32
      %dma_start3A_153 = tpu.memref_slice %arg10[%dma_start3A_151, %dma_start3A_152] : memref<10240x128xf32, #tpu.memory_space<hbm>> -> memref<10240x128xf32, #tpu.memory_space<hbm>>
      tpu.enqueue_indirect_dma source(%dma_start3A_153 : memref<10240x128xf32, #tpu.memory_space<hbm>>) target(%arg16 : memref<128x128xf32, #tpu.memory_space<vmem>>) offsets(%dma_start3A_150 : memref<128xi32, #tpu.memory_space<vmem>>) semaphore(%arg20 : memref<!tpu.dma_semaphore, #tpu.memory_space<semaphore_mem>>)
      %dma_wait3A_154 = arith.constant 3 : i32
      %dma_wait3A_155 = arith.constant 0 : i32
      %dma_wait3A_156 = tpu.memref_slice %arg17[%dma_wait3A_154, %dma_wait3A_155] : memref<5x128xi32, #tpu.memory_space<vmem>> -> memref<1x128xi32, #tpu.memory_space<vmem>>
      %dma_wait3A_157 = tpu.memref_squeeze %dma_wait3A_156 : memref<1x128xi32, #tpu.memory_space<vmem>> -> memref<128xi32, #tpu.memory_space<vmem>>
      %dma_wait3A_158 = arith.constant 0 : i32
      %dma_wait3A_159 = arith.constant 0 : i32
      %dma_wait3A_160 = tpu.memref_slice %arg10[%dma_wait3A_158, %dma_wait3A_159] : memref<10240x128xf32, #tpu.memory_space<hbm>> -> memref<10240x128xf32, #tpu.memory_space<hbm>>
      tpu.wait_indirect_dma semaphore(%arg20 : memref<!tpu.dma_semaphore, #tpu.memory_space<semaphore_mem>>) src(%dma_wait3A_160 : memref<10240x128xf32, #tpu.memory_space<hbm>>) dst(%arg16 : memref<128x128xf32, #tpu.memory_space<vmem>>)
      "tpu.region"() ({
        %run_scoped3A = tpu.sem_alloc : memref<!tpu.dma_semaphore, #tpu.memory_space<semaphore_mem>>
        %dma_start3A_161 = arith.constant 0 : i32
        %dma_start3A_162 = tpu.memref_slice %arg12[%multiple_of3A_66, %dma_start3A_161] : memref<10240x128xf32, #tpu.memory_space<hbm>> -> memref<128x128xf32, #tpu.memory_space<hbm>>
        %dma_start3A_163 = arith.constant 0 : i32
        %dma_start3A_164 = tpu.memref_slice %arg12[%multiple_of3A_66, %dma_start3A_163] : memref<10240x128xf32, #tpu.memory_space<hbm>> -> memref<128x128xf32, #tpu.memory_space<hbm>>
        tpu.enqueue_dma source(%arg16 : memref<128x128xf32, #tpu.memory_space<vmem>>) target(%dma_start3A_164 : memref<128x128xf32, #tpu.memory_space<hbm>>) target_semaphore(%run_scoped3A : memref<!tpu.dma_semaphore, #tpu.memory_space<semaphore_mem>>)
        %dma_wait3A_165 = arith.constant 0 : i32
        %dma_wait3A_166 = tpu.memref_slice %arg12[%multiple_of3A_66, %dma_wait3A_165] : memref<10240x128xf32, #tpu.memory_space<hbm>> -> memref<128x128xf32, #tpu.memory_space<hbm>>
        %dma_wait3A_167 = arith.constant 0 : i32
        %dma_wait3A_168 = tpu.memref_slice %arg12[%multiple_of3A_66, %dma_wait3A_167] : memref<10240x128xf32, #tpu.memory_space<hbm>> -> memref<128x128xf32, #tpu.memory_space<hbm>>
        tpu.wait_dma2 semaphore(%run_scoped3A : memref<!tpu.dma_semaphore, #tpu.memory_space<semaphore_mem>>) src(%arg16 : memref<128x128xf32, #tpu.memory_space<vmem>>) dst(%dma_wait3A_168 : memref<128x128xf32, #tpu.memory_space<hbm>>)
        tpu.yield
      }) : () -> ()
    } else {
    }
    %mul3A_77 = arith.constant 640 : i32
    %mul3A_78 = arith.muli %arg1, %mul3A_77 : i32
    %add3A_79 = arith.constant 512 : i32
    %add3A_80 = arith.addi %mul3A_78, %add3A_79 : i32
    %multiple_of3A_81 = tpu.assume_multiple %add3A_80, 128 : i32
    %eq3A_82 = arith.constant 0 : i32
    %eq3A_83 = arith.cmpi eq, %arg0, %eq3A_82 : i32
    %convert_element_type3A_84 = arith.extui %eq3A_83 : i1 to i32
    %cond3A_85 = arith.constant 0 : i32
    %cond3A_86 = arith.cmpi ne, %convert_element_type3A_84, %cond3A_85 : i32
    scf.if %cond3A_86 {
      %dma_start3A_147 = arith.constant 4 : i32
      %dma_start3A_148 = arith.constant 0 : i32
      %dma_start3A_149 = tpu.memref_slice %arg17[%dma_start3A_147, %dma_start3A_148] : memref<5x128xi32, #tpu.memory_space<vmem>> -> memref<1x128xi32, #tpu.memory_space<vmem>>
      %dma_start3A_150 = tpu.memref_squeeze %dma_start3A_149 : memref<1x128xi32, #tpu.memory_space<vmem>> -> memref<128xi32, #tpu.memory_space<vmem>>
      %dma_start3A_151 = arith.constant 0 : i32
      %dma_start3A_152 = arith.constant 0 : i32
      %dma_start3A_153 = tpu.memref_slice %arg9[%dma_start3A_151, %dma_start3A_152] : memref<10240x128xf32, #tpu.memory_space<hbm>> -> memref<10240x128xf32, #tpu.memory_space<hbm>>
      tpu.enqueue_indirect_dma source(%dma_start3A_153 : memref<10240x128xf32, #tpu.memory_space<hbm>>) target(%arg16 : memref<128x128xf32, #tpu.memory_space<vmem>>) offsets(%dma_start3A_150 : memref<128xi32, #tpu.memory_space<vmem>>) semaphore(%arg20 : memref<!tpu.dma_semaphore, #tpu.memory_space<semaphore_mem>>)
      %dma_wait3A_154 = arith.constant 4 : i32
      %dma_wait3A_155 = arith.constant 0 : i32
      %dma_wait3A_156 = tpu.memref_slice %arg17[%dma_wait3A_154, %dma_wait3A_155] : memref<5x128xi32, #tpu.memory_space<vmem>> -> memref<1x128xi32, #tpu.memory_space<vmem>>
      %dma_wait3A_157 = tpu.memref_squeeze %dma_wait3A_156 : memref<1x128xi32, #tpu.memory_space<vmem>> -> memref<128xi32, #tpu.memory_space<vmem>>
      %dma_wait3A_158 = arith.constant 0 : i32
      %dma_wait3A_159 = arith.constant 0 : i32
      %dma_wait3A_160 = tpu.memref_slice %arg9[%dma_wait3A_158, %dma_wait3A_159] : memref<10240x128xf32, #tpu.memory_space<hbm>> -> memref<10240x128xf32, #tpu.memory_space<hbm>>
      tpu.wait_indirect_dma semaphore(%arg20 : memref<!tpu.dma_semaphore, #tpu.memory_space<semaphore_mem>>) src(%dma_wait3A_160 : memref<10240x128xf32, #tpu.memory_space<hbm>>) dst(%arg16 : memref<128x128xf32, #tpu.memory_space<vmem>>)
      "tpu.region"() ({
        %run_scoped3A = tpu.sem_alloc : memref<!tpu.dma_semaphore, #tpu.memory_space<semaphore_mem>>
        %dma_start3A_161 = arith.constant 0 : i32
        %dma_start3A_162 = tpu.memref_slice %arg11[%multiple_of3A_81, %dma_start3A_161] : memref<10240x128xf32, #tpu.memory_space<hbm>> -> memref<128x128xf32, #tpu.memory_space<hbm>>
        %dma_start3A_163 = arith.constant 0 : i32
        %dma_start3A_164 = tpu.memref_slice %arg11[%multiple_of3A_81, %dma_start3A_163] : memref<10240x128xf32, #tpu.memory_space<hbm>> -> memref<128x128xf32, #tpu.memory_space<hbm>>
        tpu.enqueue_dma source(%arg16 : memref<128x128xf32, #tpu.memory_space<vmem>>) target(%dma_start3A_164 : memref<128x128xf32, #tpu.memory_space<hbm>>) target_semaphore(%run_scoped3A : memref<!tpu.dma_semaphore, #tpu.memory_space<semaphore_mem>>)
        %dma_wait3A_165 = arith.constant 0 : i32
        %dma_wait3A_166 = tpu.memref_slice %arg11[%multiple_of3A_81, %dma_wait3A_165] : memref<10240x128xf32, #tpu.memory_space<hbm>> -> memref<128x128xf32, #tpu.memory_space<hbm>>
        %dma_wait3A_167 = arith.constant 0 : i32
        %dma_wait3A_168 = tpu.memref_slice %arg11[%multiple_of3A_81, %dma_wait3A_167] : memref<10240x128xf32, #tpu.memory_space<hbm>> -> memref<128x128xf32, #tpu.memory_space<hbm>>
        tpu.wait_dma2 semaphore(%run_scoped3A : memref<!tpu.dma_semaphore, #tpu.memory_space<semaphore_mem>>) src(%arg16 : memref<128x128xf32, #tpu.memory_space<vmem>>) dst(%dma_wait3A_168 : memref<128x128xf32, #tpu.memory_space<hbm>>)
        tpu.yield
      }) : () -> ()
    } else {
    }
    %eq3A_87 = arith.constant 1 : i32
    %eq3A_88 = arith.cmpi eq, %arg0, %eq3A_87 : i32
    %convert_element_type3A_89 = arith.extui %eq3A_88 : i1 to i32
    %cond3A_90 = arith.constant 0 : i32
    %cond3A_91 = arith.cmpi ne, %convert_element_type3A_89, %cond3A_90 : i32
    scf.if %cond3A_91 {
      %dma_start3A_147 = arith.constant 4 : i32
      %dma_start3A_148 = arith.constant 0 : i32
      %dma_start3A_149 = tpu.memref_slice %arg17[%dma_start3A_147, %dma_start3A_148] : memref<5x128xi32, #tpu.memory_space<vmem>> -> memref<1x128xi32, #tpu.memory_space<vmem>>
      %dma_start3A_150 = tpu.memref_squeeze %dma_start3A_149 : memref<1x128xi32, #tpu.memory_space<vmem>> -> memref<128xi32, #tpu.memory_space<vmem>>
      %dma_start3A_151 = arith.constant 0 : i32
      %dma_start3A_152 = arith.constant 0 : i32
      %dma_start3A_153 = tpu.memref_slice %arg10[%dma_start3A_151, %dma_start3A_152] : memref<10240x128xf32, #tpu.memory_space<hbm>> -> memref<10240x128xf32, #tpu.memory_space<hbm>>
      tpu.enqueue_indirect_dma source(%dma_start3A_153 : memref<10240x128xf32, #tpu.memory_space<hbm>>) target(%arg16 : memref<128x128xf32, #tpu.memory_space<vmem>>) offsets(%dma_start3A_150 : memref<128xi32, #tpu.memory_space<vmem>>) semaphore(%arg20 : memref<!tpu.dma_semaphore, #tpu.memory_space<semaphore_mem>>)
      %dma_wait3A_154 = arith.constant 4 : i32
      %dma_wait3A_155 = arith.constant 0 : i32
      %dma_wait3A_156 = tpu.memref_slice %arg17[%dma_wait3A_154, %dma_wait3A_155] : memref<5x128xi32, #tpu.memory_space<vmem>> -> memref<1x128xi32, #tpu.memory_space<vmem>>
      %dma_wait3A_157 = tpu.memref_squeeze %dma_wait3A_156 : memref<1x128xi32, #tpu.memory_space<vmem>> -> memref<128xi32, #tpu.memory_space<vmem>>
      %dma_wait3A_158 = arith.constant 0 : i32
      %dma_wait3A_159 = arith.constant 0 : i32
      %dma_wait3A_160 = tpu.memref_slice %arg10[%dma_wait3A_158, %dma_wait3A_159] : memref<10240x128xf32, #tpu.memory_space<hbm>> -> memref<10240x128xf32, #tpu.memory_space<hbm>>
      tpu.wait_indirect_dma semaphore(%arg20 : memref<!tpu.dma_semaphore, #tpu.memory_space<semaphore_mem>>) src(%dma_wait3A_160 : memref<10240x128xf32, #tpu.memory_space<hbm>>) dst(%arg16 : memref<128x128xf32, #tpu.memory_space<vmem>>)
      "tpu.region"() ({
        %run_scoped3A = tpu.sem_alloc : memref<!tpu.dma_semaphore, #tpu.memory_space<semaphore_mem>>
        %dma_start3A_161 = arith.constant 0 : i32
        %dma_start3A_162 = tpu.memref_slice %arg12[%multiple_of3A_81, %dma_start3A_161] : memref<10240x128xf32, #tpu.memory_space<hbm>> -> memref<128x128xf32, #tpu.memory_space<hbm>>
        %dma_start3A_163 = arith.constant 0 : i32
        %dma_start3A_164 = tpu.memref_slice %arg12[%multiple_of3A_81, %dma_start3A_163] : memref<10240x128xf32, #tpu.memory_space<hbm>> -> memref<128x128xf32, #tpu.memory_space<hbm>>
        tpu.enqueue_dma source(%arg16 : memref<128x128xf32, #tpu.memory_space<vmem>>) target(%dma_start3A_164 : memref<128x128xf32, #tpu.memory_space<hbm>>) target_semaphore(%run_scoped3A : memref<!tpu.dma_semaphore, #tpu.memory_space<semaphore_mem>>)
        %dma_wait3A_165 = arith.constant 0 : i32
        %dma_wait3A_166 = tpu.memref_slice %arg12[%multiple_of3A_81, %dma_wait3A_165] : memref<10240x128xf32, #tpu.memory_space<hbm>> -> memref<128x128xf32, #tpu.memory_space<hbm>>
        %dma_wait3A_167 = arith.constant 0 : i32
        %dma_wait3A_168 = tpu.memref_slice %arg12[%multiple_of3A_81, %dma_wait3A_167] : memref<10240x128xf32, #tpu.memory_space<hbm>> -> memref<128x128xf32, #tpu.memory_space<hbm>>
        tpu.wait_dma2 semaphore(%run_scoped3A : memref<!tpu.dma_semaphore, #tpu.memory_space<semaphore_mem>>) src(%arg16 : memref<128x128xf32, #tpu.memory_space<vmem>>) dst(%dma_wait3A_168 : memref<128x128xf32, #tpu.memory_space<hbm>>)
        tpu.yield
      }) : () -> ()
    } else {
    }
    %mul3A_92 = arith.constant 384 : i32
    %mul3A_93 = arith.muli %add3A, %mul3A_92 : i32
    %add3A_94 = arith.constant 0 : i32
    %add3A_95 = arith.addi %mul3A_93, %add3A_94 : i32
    %multiple_of3A_96 = tpu.assume_multiple %add3A_95, 128 : i32
    %dma_start3A = arith.constant 0 : i32
    %dma_start3A_97 = arith.constant 0 : i32
    %dma_start3A_98 = tpu.memref_slice %arg18[%dma_start3A, %dma_start3A_97] : memref<3x128xi32, #tpu.memory_space<vmem>> -> memref<1x128xi32, #tpu.memory_space<vmem>>
    %dma_start3A_99 = tpu.memref_squeeze %dma_start3A_98 : memref<1x128xi32, #tpu.memory_space<vmem>> -> memref<128xi32, #tpu.memory_space<vmem>>
    %dma_start3A_100 = arith.constant 0 : i32
    %dma_start3A_101 = arith.constant 0 : i32
    %dma_start3A_102 = tpu.memref_slice %arg6[%dma_start3A_100, %dma_start3A_101] : memref<10000x128xf32, #tpu.memory_space<hbm>> -> memref<10000x128xf32, #tpu.memory_space<hbm>>
    tpu.enqueue_indirect_dma source(%dma_start3A_102 : memref<10000x128xf32, #tpu.memory_space<hbm>>) target(%arg16 : memref<128x128xf32, #tpu.memory_space<vmem>>) offsets(%dma_start3A_99 : memref<128xi32, #tpu.memory_space<vmem>>) semaphore(%arg20 : memref<!tpu.dma_semaphore, #tpu.memory_space<semaphore_mem>>)
    %dma_wait3A = arith.constant 0 : i32
    %dma_wait3A_103 = arith.constant 0 : i32
    %dma_wait3A_104 = tpu.memref_slice %arg18[%dma_wait3A, %dma_wait3A_103] : memref<3x128xi32, #tpu.memory_space<vmem>> -> memref<1x128xi32, #tpu.memory_space<vmem>>
    %dma_wait3A_105 = tpu.memref_squeeze %dma_wait3A_104 : memref<1x128xi32, #tpu.memory_space<vmem>> -> memref<128xi32, #tpu.memory_space<vmem>>
    %dma_wait3A_106 = arith.constant 0 : i32
    %dma_wait3A_107 = arith.constant 0 : i32
    %dma_wait3A_108 = tpu.memref_slice %arg6[%dma_wait3A_106, %dma_wait3A_107] : memref<10000x128xf32, #tpu.memory_space<hbm>> -> memref<10000x128xf32, #tpu.memory_space<hbm>>
    tpu.wait_indirect_dma semaphore(%arg20 : memref<!tpu.dma_semaphore, #tpu.memory_space<semaphore_mem>>) src(%dma_wait3A_108 : memref<10000x128xf32, #tpu.memory_space<hbm>>) dst(%arg16 : memref<128x128xf32, #tpu.memory_space<vmem>>)
    "tpu.region"() ({
      %run_scoped3A = tpu.sem_alloc : memref<!tpu.dma_semaphore, #tpu.memory_space<semaphore_mem>>
      %dma_start3A_147 = arith.constant 0 : i32
      %dma_start3A_148 = tpu.memref_slice %arg13[%multiple_of3A_96, %dma_start3A_147] : memref<12288x128xf32, #tpu.memory_space<hbm>> -> memref<128x128xf32, #tpu.memory_space<hbm>>
      %dma_start3A_149 = arith.constant 0 : i32
      %dma_start3A_150 = tpu.memref_slice %arg13[%multiple_of3A_96, %dma_start3A_149] : memref<12288x128xf32, #tpu.memory_space<hbm>> -> memref<128x128xf32, #tpu.memory_space<hbm>>
      tpu.enqueue_dma source(%arg16 : memref<128x128xf32, #tpu.memory_space<vmem>>) target(%dma_start3A_150 : memref<128x128xf32, #tpu.memory_space<hbm>>) target_semaphore(%run_scoped3A : memref<!tpu.dma_semaphore, #tpu.memory_space<semaphore_mem>>)
      %dma_wait3A_151 = arith.constant 0 : i32
      %dma_wait3A_152 = tpu.memref_slice %arg13[%multiple_of3A_96, %dma_wait3A_151] : memref<12288x128xf32, #tpu.memory_space<hbm>> -> memref<128x128xf32, #tpu.memory_space<hbm>>
      %dma_wait3A_153 = arith.constant 0 : i32
      %dma_wait3A_154 = tpu.memref_slice %arg13[%multiple_of3A_96, %dma_wait3A_153] : memref<12288x128xf32, #tpu.memory_space<hbm>> -> memref<128x128xf32, #tpu.memory_space<hbm>>
      tpu.wait_dma2 semaphore(%run_scoped3A : memref<!tpu.dma_semaphore, #tpu.memory_space<semaphore_mem>>) src(%arg16 : memref<128x128xf32, #tpu.memory_space<vmem>>) dst(%dma_wait3A_154 : memref<128x128xf32, #tpu.memory_space<hbm>>)
      tpu.yield
    }) : () -> ()
    %mul3A_109 = arith.constant 384 : i32
    %mul3A_110 = arith.muli %add3A, %mul3A_109 : i32
    %add3A_111 = arith.constant 128 : i32
    %add3A_112 = arith.addi %mul3A_110, %add3A_111 : i32
    %multiple_of3A_113 = tpu.assume_multiple %add3A_112, 128 : i32
    %dma_start3A_114 = arith.constant 1 : i32
    %dma_start3A_115 = arith.constant 0 : i32
    %dma_start3A_116 = tpu.memref_slice %arg18[%dma_start3A_114, %dma_start3A_115] : memref<3x128xi32, #tpu.memory_space<vmem>> -> memref<1x128xi32, #tpu.memory_space<vmem>>
    %dma_start3A_117 = tpu.memref_squeeze %dma_start3A_116 : memref<1x128xi32, #tpu.memory_space<vmem>> -> memref<128xi32, #tpu.memory_space<vmem>>
    %dma_start3A_118 = arith.constant 0 : i32
    %dma_start3A_119 = arith.constant 0 : i32
    %dma_start3A_120 = tpu.memref_slice %arg6[%dma_start3A_118, %dma_start3A_119] : memref<10000x128xf32, #tpu.memory_space<hbm>> -> memref<10000x128xf32, #tpu.memory_space<hbm>>
    tpu.enqueue_indirect_dma source(%dma_start3A_120 : memref<10000x128xf32, #tpu.memory_space<hbm>>) target(%arg16 : memref<128x128xf32, #tpu.memory_space<vmem>>) offsets(%dma_start3A_117 : memref<128xi32, #tpu.memory_space<vmem>>) semaphore(%arg20 : memref<!tpu.dma_semaphore, #tpu.memory_space<semaphore_mem>>)
    %dma_wait3A_121 = arith.constant 1 : i32
    %dma_wait3A_122 = arith.constant 0 : i32
    %dma_wait3A_123 = tpu.memref_slice %arg18[%dma_wait3A_121, %dma_wait3A_122] : memref<3x128xi32, #tpu.memory_space<vmem>> -> memref<1x128xi32, #tpu.memory_space<vmem>>
    %dma_wait3A_124 = tpu.memref_squeeze %dma_wait3A_123 : memref<1x128xi32, #tpu.memory_space<vmem>> -> memref<128xi32, #tpu.memory_space<vmem>>
    %dma_wait3A_125 = arith.constant 0 : i32
    %dma_wait3A_126 = arith.constant 0 : i32
    %dma_wait3A_127 = tpu.memref_slice %arg6[%dma_wait3A_125, %dma_wait3A_126] : memref<10000x128xf32, #tpu.memory_space<hbm>> -> memref<10000x128xf32, #tpu.memory_space<hbm>>
    tpu.wait_indirect_dma semaphore(%arg20 : memref<!tpu.dma_semaphore, #tpu.memory_space<semaphore_mem>>) src(%dma_wait3A_127 : memref<10000x128xf32, #tpu.memory_space<hbm>>) dst(%arg16 : memref<128x128xf32, #tpu.memory_space<vmem>>)
    "tpu.region"() ({
      %run_scoped3A = tpu.sem_alloc : memref<!tpu.dma_semaphore, #tpu.memory_space<semaphore_mem>>
      %dma_start3A_147 = arith.constant 0 : i32
      %dma_start3A_148 = tpu.memref_slice %arg13[%multiple_of3A_113, %dma_start3A_147] : memref<12288x128xf32, #tpu.memory_space<hbm>> -> memref<128x128xf32, #tpu.memory_space<hbm>>
      %dma_start3A_149 = arith.constant 0 : i32
      %dma_start3A_150 = tpu.memref_slice %arg13[%multiple_of3A_113, %dma_start3A_149] : memref<12288x128xf32, #tpu.memory_space<hbm>> -> memref<128x128xf32, #tpu.memory_space<hbm>>
      tpu.enqueue_dma source(%arg16 : memref<128x128xf32, #tpu.memory_space<vmem>>) target(%dma_start3A_150 : memref<128x128xf32, #tpu.memory_space<hbm>>) target_semaphore(%run_scoped3A : memref<!tpu.dma_semaphore, #tpu.memory_space<semaphore_mem>>)
      %dma_wait3A_151 = arith.constant 0 : i32
      %dma_wait3A_152 = tpu.memref_slice %arg13[%multiple_of3A_113, %dma_wait3A_151] : memref<12288x128xf32, #tpu.memory_space<hbm>> -> memref<128x128xf32, #tpu.memory_space<hbm>>
      %dma_wait3A_153 = arith.constant 0 : i32
      %dma_wait3A_154 = tpu.memref_slice %arg13[%multiple_of3A_113, %dma_wait3A_153] : memref<12288x128xf32, #tpu.memory_space<hbm>> -> memref<128x128xf32, #tpu.memory_space<hbm>>
      tpu.wait_dma2 semaphore(%run_scoped3A : memref<!tpu.dma_semaphore, #tpu.memory_space<semaphore_mem>>) src(%arg16 : memref<128x128xf32, #tpu.memory_space<vmem>>) dst(%dma_wait3A_154 : memref<128x128xf32, #tpu.memory_space<hbm>>)
      tpu.yield
    }) : () -> ()
    %mul3A_128 = arith.constant 384 : i32
    %mul3A_129 = arith.muli %add3A, %mul3A_128 : i32
    %add3A_130 = arith.constant 256 : i32
    %add3A_131 = arith.addi %mul3A_129, %add3A_130 : i32
    %multiple_of3A_132 = tpu.assume_multiple %add3A_131, 128 : i32
    %dma_start3A_133 = arith.constant 2 : i32
    %dma_start3A_134 = arith.constant 0 : i32
    %dma_start3A_135 = tpu.memref_slice %arg18[%dma_start3A_133, %dma_start3A_134] : memref<3x128xi32, #tpu.memory_space<vmem>> -> memref<1x128xi32, #tpu.memory_space<vmem>>
    %dma_start3A_136 = tpu.memref_squeeze %dma_start3A_135 : memref<1x128xi32, #tpu.memory_space<vmem>> -> memref<128xi32, #tpu.memory_space<vmem>>
    %dma_start3A_137 = arith.constant 0 : i32
    %dma_start3A_138 = arith.constant 0 : i32
    %dma_start3A_139 = tpu.memref_slice %arg6[%dma_start3A_137, %dma_start3A_138] : memref<10000x128xf32, #tpu.memory_space<hbm>> -> memref<10000x128xf32, #tpu.memory_space<hbm>>
    tpu.enqueue_indirect_dma source(%dma_start3A_139 : memref<10000x128xf32, #tpu.memory_space<hbm>>) target(%arg16 : memref<128x128xf32, #tpu.memory_space<vmem>>) offsets(%dma_start3A_136 : memref<128xi32, #tpu.memory_space<vmem>>) semaphore(%arg20 : memref<!tpu.dma_semaphore, #tpu.memory_space<semaphore_mem>>)
    %dma_wait3A_140 = arith.constant 2 : i32
    %dma_wait3A_141 = arith.constant 0 : i32
    %dma_wait3A_142 = tpu.memref_slice %arg18[%dma_wait3A_140, %dma_wait3A_141] : memref<3x128xi32, #tpu.memory_space<vmem>> -> memref<1x128xi32, #tpu.memory_space<vmem>>
    %dma_wait3A_143 = tpu.memref_squeeze %dma_wait3A_142 : memref<1x128xi32, #tpu.memory_space<vmem>> -> memref<128xi32, #tpu.memory_space<vmem>>
    %dma_wait3A_144 = arith.constant 0 : i32
    %dma_wait3A_145 = arith.constant 0 : i32
    %dma_wait3A_146 = tpu.memref_slice %arg6[%dma_wait3A_144, %dma_wait3A_145] : memref<10000x128xf32, #tpu.memory_space<hbm>> -> memref<10000x128xf32, #tpu.memory_space<hbm>>
    tpu.wait_indirect_dma semaphore(%arg20 : memref<!tpu.dma_semaphore, #tpu.memory_space<semaphore_mem>>) src(%dma_wait3A_146 : memref<10000x128xf32, #tpu.memory_space<hbm>>) dst(%arg16 : memref<128x128xf32, #tpu.memory_space<vmem>>)
    "tpu.region"() ({
      %run_scoped3A = tpu.sem_alloc : memref<!tpu.dma_semaphore, #tpu.memory_space<semaphore_mem>>
      %dma_start3A_147 = arith.constant 0 : i32
      %dma_start3A_148 = tpu.memref_slice %arg13[%multiple_of3A_132, %dma_start3A_147] : memref<12288x128xf32, #tpu.memory_space<hbm>> -> memref<128x128xf32, #tpu.memory_space<hbm>>
      %dma_start3A_149 = arith.constant 0 : i32
      %dma_start3A_150 = tpu.memref_slice %arg13[%multiple_of3A_132, %dma_start3A_149] : memref<12288x128xf32, #tpu.memory_space<hbm>> -> memref<128x128xf32, #tpu.memory_space<hbm>>
      tpu.enqueue_dma source(%arg16 : memref<128x128xf32, #tpu.memory_space<vmem>>) target(%dma_start3A_150 : memref<128x128xf32, #tpu.memory_space<hbm>>) target_semaphore(%run_scoped3A : memref<!tpu.dma_semaphore, #tpu.memory_space<semaphore_mem>>)
      %dma_wait3A_151 = arith.constant 0 : i32
      %dma_wait3A_152 = tpu.memref_slice %arg13[%multiple_of3A_132, %dma_wait3A_151] : memref<12288x128xf32, #tpu.memory_space<hbm>> -> memref<128x128xf32, #tpu.memory_space<hbm>>
      %dma_wait3A_153 = arith.constant 0 : i32
      %dma_wait3A_154 = tpu.memref_slice %arg13[%multiple_of3A_132, %dma_wait3A_153] : memref<12288x128xf32, #tpu.memory_space<hbm>> -> memref<128x128xf32, #tpu.memory_space<hbm>>
      tpu.wait_dma2 semaphore(%run_scoped3A : memref<!tpu.dma_semaphore, #tpu.memory_space<semaphore_mem>>) src(%arg16 : memref<128x128xf32, #tpu.memory_space<vmem>>) dst(%dma_wait3A_154 : memref<128x128xf32, #tpu.memory_space<hbm>>)
      tpu.yield
    }) : () -> ()
    return
  }
}

module attributes {stable_mosaic.version = 14 : i64} {
  func.func @_tc_layer1_body(%arg0: i32, %arg1: memref<400x128xf32, #tpu.memory_space<vmem>>, %arg2: memref<400x128xf32, #tpu.memory_space<vmem>>, %arg3: memref<400x1xf32, #tpu.memory_space<vmem>>, %arg4: memref<400x1xf32, #tpu.memory_space<vmem>>, %arg5: memref<128x128xf32, #tpu.memory_space<vmem>>, %arg6: memref<1x128xf32, #tpu.memory_space<vmem>>, %arg7: memref<400x128xf32, #tpu.memory_space<vmem>>, %arg8: memref<400x128xf32, #tpu.memory_space<vmem>>) attributes {dimension_semantics = [#tpu.dimension_semantics<arbitrary>], iteration_bounds = array<i64: 25>, scalar_prefetch = 0 : i64, scratch_operands = 0 : i64, tpu.core_type = #tpu.core_type<tc>, window_params = [{transform_indices = @transform_0, window_bounds = array<i64: 400, 128>}, {transform_indices = @transform_1, window_bounds = array<i64: 400, 128>}, {transform_indices = @transform_2, window_bounds = array<i64: 400, 1>}, {transform_indices = @transform_3, window_bounds = array<i64: 400, 1>}, {pipeline_mode = #tpu.pipeline_mode<synchronous>, transform_indices = @transform_4, window_bounds = array<i64: 128, 128>}, {pipeline_mode = #tpu.pipeline_mode<synchronous>, transform_indices = @transform_5, window_bounds = array<i64: 1, 128>}, {transform_indices = @transform_6, window_bounds = array<i64: 400, 128>}, {transform_indices = @transform_7, window_bounds = array<i64: 400, 128>}]} {
    %get3A = arith.constant 0 : index
    %get3A_0 = arith.constant 0 : index
    %get3A_1 = vector.load %arg3[%get3A, %get3A_0] : memref<400x1xf32, #tpu.memory_space<vmem>>, vector<400x1xf32>
    %get3A_2 = arith.constant 0 : index
    %get3A_3 = arith.constant 0 : index
    %get3A_4 = vector.load %arg4[%get3A_2, %get3A_3] : memref<400x1xf32, #tpu.memory_space<vmem>>, vector<400x1xf32>
    %add3A = arith.addf %get3A_1, %get3A_4 : vector<400x1xf32>
    %max3A = arith.constant 1.000000e+00 : f32
    %max3A_5 = vector.broadcast %max3A : f32 to vector<400x1xf32>
    %max3A_6 = arith.maximumf %add3A, %max3A_5 : vector<400x1xf32>
    %div3A = arith.constant 1.000000e+00 : f32
    %div3A_7 = vector.broadcast %div3A : f32 to vector<400x1xf32>
    %div3A_8 = arith.divf %div3A_7, %max3A_6 : vector<400x1xf32>
    %get3A_9 = arith.constant 0 : index
    %get3A_10 = arith.constant 0 : index
    %get3A_11 = vector.load %arg1[%get3A_9, %get3A_10] : memref<400x128xf32, #tpu.memory_space<vmem>>, vector<400x128xf32>
    %get3A_12 = arith.constant 0 : index
    %get3A_13 = arith.constant 0 : index
    %get3A_14 = vector.load %arg2[%get3A_12, %get3A_13] : memref<400x128xf32, #tpu.memory_space<vmem>>, vector<400x128xf32>
    %add3A_15 = arith.addf %get3A_11, %get3A_14 : vector<400x128xf32>
    %mul3A = vector.broadcast %div3A_8 : vector<400x1xf32> to vector<400x128xf32>
    %mul3A_16 = arith.mulf %add3A_15, %mul3A : vector<400x128xf32>
    %get3A_17 = arith.constant 0 : index
    %get3A_18 = arith.constant 0 : index
    %get3A_19 = vector.load %arg5[%get3A_17, %get3A_18] : memref<128x128xf32, #tpu.memory_space<vmem>>, vector<128x128xf32>
    %dot_general3A = arith.constant dense<0.000000e+00> : vector<400x128xf32>
    %dot_general3A_20 = tpu.matmul %mul3A_16, %get3A_19, %dot_general3A {dimension_numbers = #tpu.dot_dimension_numbers<[1], [0], [0], [1], [0, 0, 1, 1], [], []>, transpose_lhs_hint = false} : vector<400x128xf32>, vector<128x128xf32>, vector<400x128xf32> -> vector<400x128xf32>
    %get3A_21 = arith.constant 0 : index
    %get3A_22 = arith.constant 0 : index
    %get3A_23 = vector.load %arg6[%get3A_21, %get3A_22] : memref<1x128xf32, #tpu.memory_space<vmem>>, vector<1x128xf32>
    %add3A_24 = vector.broadcast %get3A_23 : vector<1x128xf32> to vector<400x128xf32>
    %add3A_25 = arith.addf %dot_general3A_20, %add3A_24 : vector<400x128xf32>
    %max3A_26 = arith.constant 0.000000e+00 : f32
    %max3A_27 = vector.broadcast %max3A_26 : f32 to vector<400x128xf32>
    %max3A_28 = arith.maximumf %add3A_25, %max3A_27 : vector<400x128xf32>
    %swap3A = arith.constant 0 : index
    %swap3A_29 = arith.constant 0 : index
    %swap3A_30 = vector.load %arg7[%swap3A, %swap3A_29] : memref<400x128xf32, #tpu.memory_space<vmem>>, vector<400x128xf32>
    tpu.vector_store %arg7[%swap3A, %swap3A_29], %max3A_28 {strides = array<i32>} : memref<400x128xf32, #tpu.memory_space<vmem>>, vector<400x128xf32>,
    %broadcast_in_dim3A = vector.shape_cast %div3A_8 : vector<400x1xf32> to vector<400x1xf32>
    %broadcast_in_dim3A_31 = vector.broadcast %broadcast_in_dim3A : vector<400x1xf32> to vector<400x128xf32>
    %swap3A_32 = arith.constant 0 : index
    %swap3A_33 = arith.constant 0 : index
    %swap3A_34 = vector.load %arg8[%swap3A_32, %swap3A_33] : memref<400x128xf32, #tpu.memory_space<vmem>>, vector<400x128xf32>
    tpu.vector_store %arg8[%swap3A_32, %swap3A_33], %broadcast_in_dim3A_31 {strides = array<i32>} : memref<400x128xf32, #tpu.memory_space<vmem>>, vector<400x128xf32>,
    return
  }
  func.func @transform_0(%arg0: i32) -> (i32, i32) {
    %c0_i32 = arith.constant 0 : i32
    %c0_i32_0 = arith.constant 0 : i32
    return %arg0, %c0_i32 : i32, i32
  }
  func.func @transform_1(%arg0: i32) -> (i32, i32) {
    %c0_i32 = arith.constant 0 : i32
    %c0_i32_0 = arith.constant 0 : i32
    return %arg0, %c0_i32 : i32, i32
  }
  func.func @transform_2(%arg0: i32) -> (i32, i32) {
    %c0_i32 = arith.constant 0 : i32
    %c0_i32_0 = arith.constant 0 : i32
    return %arg0, %c0_i32 : i32, i32
  }
  func.func @transform_3(%arg0: i32) -> (i32, i32) {
    %c0_i32 = arith.constant 0 : i32
    %c0_i32_0 = arith.constant 0 : i32
    return %arg0, %c0_i32 : i32, i32
  }
  func.func @transform_4(%arg0: i32) -> (i32, i32) {
    %c0_i32 = arith.constant 0 : i32
    %c0_i32_0 = arith.constant 0 : i32
    %c0_i32_1 = arith.constant 0 : i32
    return %c0_i32, %c0_i32_0 : i32, i32
  }
  func.func @transform_5(%arg0: i32) -> (i32, i32) {
    %c0_i32 = arith.constant 0 : i32
    %c0_i32_0 = arith.constant 0 : i32
    %c0_i32_1 = arith.constant 0 : i32
    return %c0_i32, %c0_i32_0 : i32, i32
  }
  func.func @transform_6(%arg0: i32) -> (i32, i32) {
    %c0_i32 = arith.constant 0 : i32
    %c0_i32_0 = arith.constant 0 : i32
    return %arg0, %c0_i32 : i32, i32
  }
  func.func @transform_7(%arg0: i32) -> (i32, i32) {
    %c0_i32 = arith.constant 0 : i32
    %c0_i32_0 = arith.constant 0 : i32
    return %arg0, %c0_i32 : i32, i32
  }
}

module attributes {stable_mosaic.version = 14 : i64} {
  func.func @_tc_final_body(%arg0: i32, %arg1: memref<400x128xf32, #tpu.memory_space<vmem>>, %arg2: memref<400x128xf32, #tpu.memory_space<vmem>>, %arg3: memref<400x1xf32, #tpu.memory_space<vmem>>, %arg4: memref<400x1xf32, #tpu.memory_space<vmem>>, %arg5: memref<400x128xf32, #tpu.memory_space<vmem>>, %arg6: memref<400x128xf32, #tpu.memory_space<vmem>>, %arg7: memref<400x128xf32, #tpu.memory_space<vmem>>, %arg8: memref<400x128xf32, #tpu.memory_space<vmem>>, %arg9: memref<128x64xf32, #tpu.memory_space<vmem>>, %arg10: memref<1x64xf32, #tpu.memory_space<vmem>>, %arg11: memref<128x64xf32, #tpu.memory_space<vmem>>, %arg12: memref<1x64xf32, #tpu.memory_space<vmem>>, %arg13: memref<128x40xf32, #tpu.memory_space<vmem>>, %arg14: memref<1x40xf32, #tpu.memory_space<vmem>>, %arg15: memref<400x64xf32, #tpu.memory_space<vmem>>, %arg16: memref<400x40xf32, #tpu.memory_space<vmem>>) attributes {dimension_semantics = [#tpu.dimension_semantics<arbitrary>], iteration_bounds = array<i64: 25>, scalar_prefetch = 0 : i64, scratch_operands = 0 : i64, tpu.core_type = #tpu.core_type<tc>, window_params = [{transform_indices = @transform_0, window_bounds = array<i64: 400, 128>}, {transform_indices = @transform_1, window_bounds = array<i64: 400, 128>}, {transform_indices = @transform_2, window_bounds = array<i64: 400, 1>}, {transform_indices = @transform_3, window_bounds = array<i64: 400, 1>}, {transform_indices = @transform_4, window_bounds = array<i64: 400, 128>}, {transform_indices = @transform_5, window_bounds = array<i64: 400, 128>}, {transform_indices = @transform_6, window_bounds = array<i64: 400, 128>}, {transform_indices = @transform_7, window_bounds = array<i64: 400, 128>}, {pipeline_mode = #tpu.pipeline_mode<synchronous>, transform_indices = @transform_8, window_bounds = array<i64: 128, 64>}, {pipeline_mode = #tpu.pipeline_mode<synchronous>, transform_indices = @transform_9, window_bounds = array<i64: 1, 64>}, {pipeline_mode = #tpu.pipeline_mode<synchronous>, transform_indices = @transform_10, window_bounds = array<i64: 128, 64>}, {pipeline_mode = #tpu.pipeline_mode<synchronous>, transform_indices = @transform_11, window_bounds = array<i64: 1, 64>}, {pipeline_mode = #tpu.pipeline_mode<synchronous>, transform_indices = @transform_12, window_bounds = array<i64: 128, 40>}, {pipeline_mode = #tpu.pipeline_mode<synchronous>, transform_indices = @transform_13, window_bounds = array<i64: 1, 40>}, {transform_indices = @transform_14, window_bounds = array<i64: 400, 64>}, {transform_indices = @transform_15, window_bounds = array<i64: 400, 40>}]} {
    %get3A = arith.constant 0 : index
    %get3A_0 = arith.constant 0 : index
    %get3A_1 = vector.load %arg3[%get3A, %get3A_0] : memref<400x1xf32, #tpu.memory_space<vmem>>, vector<400x1xf32>
    %get3A_2 = arith.constant 0 : index
    %get3A_3 = arith.constant 0 : index
    %get3A_4 = vector.load %arg4[%get3A_2, %get3A_3] : memref<400x1xf32, #tpu.memory_space<vmem>>, vector<400x1xf32>
    %add3A = arith.addf %get3A_1, %get3A_4 : vector<400x1xf32>
    %max3A = arith.constant 1.000000e+00 : f32
    %max3A_5 = vector.broadcast %max3A : f32 to vector<400x1xf32>
    %max3A_6 = arith.maximumf %add3A, %max3A_5 : vector<400x1xf32>
    %div3A = arith.constant 1.000000e+00 : f32
    %div3A_7 = vector.broadcast %div3A : f32 to vector<400x1xf32>
    %div3A_8 = arith.divf %div3A_7, %max3A_6 : vector<400x1xf32>
    %get3A_9 = arith.constant 0 : index
    %get3A_10 = arith.constant 0 : index
    %get3A_11 = vector.load %arg1[%get3A_9, %get3A_10] : memref<400x128xf32, #tpu.memory_space<vmem>>, vector<400x128xf32>
    %get3A_12 = arith.constant 0 : index
    %get3A_13 = arith.constant 0 : index
    %get3A_14 = vector.load %arg2[%get3A_12, %get3A_13] : memref<400x128xf32, #tpu.memory_space<vmem>>, vector<400x128xf32>
    %add3A_15 = arith.addf %get3A_11, %get3A_14 : vector<400x128xf32>
    %mul3A = vector.broadcast %div3A_8 : vector<400x1xf32> to vector<400x128xf32>
    %mul3A_16 = arith.mulf %add3A_15, %mul3A : vector<400x128xf32>
    %get3A_17 = arith.constant 0 : index
    %get3A_18 = arith.constant 0 : index
    %get3A_19 = vector.load %arg11[%get3A_17, %get3A_18] : memref<128x64xf32, #tpu.memory_space<vmem>>, vector<128x64xf32>
    %dot_general3A = arith.constant dense<0.000000e+00> : vector<400x64xf32>
    %dot_general3A_20 = tpu.matmul %mul3A_16, %get3A_19, %dot_general3A {dimension_numbers = #tpu.dot_dimension_numbers<[1], [0], [0], [1], [0, 0, 1, 1], [], []>, transpose_lhs_hint = false} : vector<400x128xf32>, vector<128x64xf32>, vector<400x64xf32> -> vector<400x64xf32>
    %get3A_21 = arith.constant 0 : index
    %get3A_22 = arith.constant 0 : index
    %get3A_23 = vector.load %arg12[%get3A_21, %get3A_22] : memref<1x64xf32, #tpu.memory_space<vmem>>, vector<1x64xf32>
    %add3A_24 = vector.broadcast %get3A_23 : vector<1x64xf32> to vector<400x64xf32>
    %add3A_25 = arith.addf %dot_general3A_20, %add3A_24 : vector<400x64xf32>
    %swap3A = arith.constant 0 : index
    %swap3A_26 = arith.constant 0 : index
    %swap3A_27 = vector.load %arg15[%swap3A, %swap3A_26] : memref<400x64xf32, #tpu.memory_space<vmem>>, vector<400x64xf32>
    tpu.vector_store %arg15[%swap3A, %swap3A_26], %add3A_25 {strides = array<i32>} : memref<400x64xf32, #tpu.memory_space<vmem>>, vector<400x64xf32>,
    %get3A_28 = arith.constant 0 : index
    %get3A_29 = arith.constant 0 : index
    %get3A_30 = vector.load %arg5[%get3A_28, %get3A_29] : memref<400x128xf32, #tpu.memory_space<vmem>>, vector<400x128xf32>
    %get3A_31 = arith.constant 0 : index
    %get3A_32 = arith.constant 0 : index
    %get3A_33 = vector.load %arg6[%get3A_31, %get3A_32] : memref<400x128xf32, #tpu.memory_space<vmem>>, vector<400x128xf32>
    %add3A_34 = arith.addf %get3A_30, %get3A_33 : vector<400x128xf32>
    %get3A_35 = arith.constant 0 : index
    %get3A_36 = arith.constant 0 : index
    %get3A_37 = vector.load %arg7[%get3A_35, %get3A_36] : memref<400x128xf32, #tpu.memory_space<vmem>>, vector<400x1xf32>
    %mul3A_38 = vector.broadcast %get3A_37 : vector<400x1xf32> to vector<400x128xf32>
    %mul3A_39 = arith.mulf %add3A_34, %mul3A_38 : vector<400x128xf32>
    %get3A_40 = arith.constant 0 : index
    %get3A_41 = arith.constant 0 : index
    %get3A_42 = vector.load %arg11[%get3A_40, %get3A_41] : memref<128x64xf32, #tpu.memory_space<vmem>>, vector<128x64xf32>
    %dot_general3A_43 = arith.constant dense<0.000000e+00> : vector<400x64xf32>
    %dot_general3A_44 = tpu.matmul %mul3A_39, %get3A_42, %dot_general3A_43 {dimension_numbers = #tpu.dot_dimension_numbers<[1], [0], [0], [1], [0, 0, 1, 1], [], []>, transpose_lhs_hint = false} : vector<400x128xf32>, vector<128x64xf32>, vector<400x64xf32> -> vector<400x64xf32>
    %get3A_45 = arith.constant 0 : index
    %get3A_46 = arith.constant 0 : index
    %get3A_47 = vector.load %arg12[%get3A_45, %get3A_46] : memref<1x64xf32, #tpu.memory_space<vmem>>, vector<1x64xf32>
    %add3A_48 = vector.broadcast %get3A_47 : vector<1x64xf32> to vector<400x64xf32>
    %add3A_49 = arith.addf %dot_general3A_44, %add3A_48 : vector<400x64xf32>
    %get3A_50 = arith.constant 0 : index
    %get3A_51 = arith.constant 0 : index
    %get3A_52 = vector.load %arg13[%get3A_50, %get3A_51] : memref<128x40xf32, #tpu.memory_space<vmem>>, vector<64x40xf32>
    %get3A_53 = arith.constant 64 : index
    %get3A_54 = arith.constant 0 : index
    %get3A_55 = vector.load %arg13[%get3A_53, %get3A_54] : memref<128x40xf32, #tpu.memory_space<vmem>>, vector<64x40xf32>
    %get3A_56 = arith.constant 0 : index
    %get3A_57 = arith.constant 0 : index
    %get3A_58 = vector.load %arg9[%get3A_56, %get3A_57] : memref<128x64xf32, #tpu.memory_space<vmem>>, vector<128x64xf32>
    %dot_general3A_59 = arith.constant dense<0.000000e+00> : vector<128x40xf32>
    %dot_general3A_60 = tpu.matmul %get3A_58, %get3A_52, %dot_general3A_59 {dimension_numbers = #tpu.dot_dimension_numbers<[1], [0], [0], [1], [0, 0, 1, 1], [], []>, transpose_lhs_hint = false} : vector<128x64xf32>, vector<64x40xf32>, vector<128x40xf32> -> vector<128x40xf32>
    %get3A_61 = arith.constant 0 : index
    %get3A_62 = arith.constant 0 : index
    %get3A_63 = vector.load %arg10[%get3A_61, %get3A_62] : memref<1x64xf32, #tpu.memory_space<vmem>>, vector<1x64xf32>
    %dot_general3A_64 = arith.constant dense<0.000000e+00> : vector<1x40xf32>
    %dot_general3A_65 = tpu.matmul %get3A_63, %get3A_52, %dot_general3A_64 {dimension_numbers = #tpu.dot_dimension_numbers<[1], [0], [0], [1], [0, 0, 1, 1], [], []>, transpose_lhs_hint = false} : vector<1x64xf32>, vector<64x40xf32>, vector<1x40xf32> -> vector<1x40xf32>
    %get3A_66 = arith.constant 0 : index
    %get3A_67 = arith.constant 0 : index
    %get3A_68 = vector.load %arg14[%get3A_66, %get3A_67] : memref<1x40xf32, #tpu.memory_space<vmem>>, vector<1x40xf32>
    %add3A_69 = arith.addf %dot_general3A_65, %get3A_68 : vector<1x40xf32>
    %get3A_70 = arith.constant 0 : index
    %get3A_71 = arith.constant 0 : index
    %get3A_72 = vector.load %arg8[%get3A_70, %get3A_71] : memref<400x128xf32, #tpu.memory_space<vmem>>, vector<400x128xf32>
    %dot_general3A_73 = arith.constant dense<0.000000e+00> : vector<400x40xf32>
    %dot_general3A_74 = tpu.matmul %get3A_72, %dot_general3A_60, %dot_general3A_73 {dimension_numbers = #tpu.dot_dimension_numbers<[1], [0], [0], [1], [0, 0, 1, 1], [], []>, transpose_lhs_hint = false} : vector<400x128xf32>, vector<128x40xf32>, vector<400x40xf32> -> vector<400x40xf32>
    %dot_general3A_75 = arith.constant dense<0.000000e+00> : vector<400x40xf32>
    %dot_general3A_76 = tpu.matmul %add3A_49, %get3A_55, %dot_general3A_75 {dimension_numbers = #tpu.dot_dimension_numbers<[1], [0], [0], [1], [0, 0, 1, 1], [], []>, transpose_lhs_hint = false} : vector<400x64xf32>, vector<64x40xf32>, vector<400x40xf32> -> vector<400x40xf32>
    %add3A_77 = arith.addf %dot_general3A_74, %dot_general3A_76 : vector<400x40xf32>
    %add3A_78 = vector.broadcast %add3A_69 : vector<1x40xf32> to vector<400x40xf32>
    %add3A_79 = arith.addf %add3A_77, %add3A_78 : vector<400x40xf32>
    %reduce_max3A = arith.constant dense<0xFF800000> : vector<400xf32>
    %reduce_max3A_80 = vector.multi_reduction <maximumf>, %add3A_79, %reduce_max3A [1] : vector<400x40xf32> to vector<400xf32>
    %broadcast_in_dim3A = vector.shape_cast %reduce_max3A_80 : vector<400xf32> to vector<400x1xf32>
    %sub3A = vector.broadcast %broadcast_in_dim3A : vector<400x1xf32> to vector<400x40xf32>
    %sub3A_81 = arith.subf %add3A_79, %sub3A : vector<400x40xf32>
    %exp3A = math.exp %sub3A_81 : vector<400x40xf32>
    %reduce_sum3A = arith.constant dense<0.000000e+00> : vector<400xf32>
    %reduce_sum3A_82 = vector.multi_reduction <add>, %exp3A, %reduce_sum3A [1] : vector<400x40xf32> to vector<400xf32>
    %broadcast_in_dim3A_83 = vector.shape_cast %reduce_sum3A_82 : vector<400xf32> to vector<400x1xf32>
    %div3A_84 = vector.broadcast %broadcast_in_dim3A_83 : vector<400x1xf32> to vector<400x40xf32>
    %div3A_85 = arith.divf %exp3A, %div3A_84 : vector<400x40xf32>
    %swap3A_86 = arith.constant 0 : index
    %swap3A_87 = arith.constant 0 : index
    %swap3A_88 = vector.load %arg16[%swap3A_86, %swap3A_87] : memref<400x40xf32, #tpu.memory_space<vmem>>, vector<400x40xf32>
    tpu.vector_store %arg16[%swap3A_86, %swap3A_87], %div3A_85 {strides = array<i32>} : memref<400x40xf32, #tpu.memory_space<vmem>>, vector<400x40xf32>,
    return
  }
  func.func @transform_0(%arg0: i32) -> (i32, i32) {
    %c0_i32 = arith.constant 0 : i32
    %c0_i32_0 = arith.constant 0 : i32
    return %arg0, %c0_i32 : i32, i32
  }
  func.func @transform_1(%arg0: i32) -> (i32, i32) {
    %c0_i32 = arith.constant 0 : i32
    %c0_i32_0 = arith.constant 0 : i32
    return %arg0, %c0_i32 : i32, i32
  }
  func.func @transform_2(%arg0: i32) -> (i32, i32) {
    %c0_i32 = arith.constant 0 : i32
    %c0_i32_0 = arith.constant 0 : i32
    return %arg0, %c0_i32 : i32, i32
  }
  func.func @transform_3(%arg0: i32) -> (i32, i32) {
    %c0_i32 = arith.constant 0 : i32
    %c0_i32_0 = arith.constant 0 : i32
    return %arg0, %c0_i32 : i32, i32
  }
  func.func @transform_4(%arg0: i32) -> (i32, i32) {
    %c0_i32 = arith.constant 0 : i32
    %c0_i32_0 = arith.constant 0 : i32
    return %arg0, %c0_i32 : i32, i32
  }
  func.func @transform_5(%arg0: i32) -> (i32, i32) {
    %c0_i32 = arith.constant 0 : i32
    %c0_i32_0 = arith.constant 0 : i32
    return %arg0, %c0_i32 : i32, i32
  }
  func.func @transform_6(%arg0: i32) -> (i32, i32) {
    %c0_i32 = arith.constant 0 : i32
    %c0_i32_0 = arith.constant 0 : i32
    return %arg0, %c0_i32 : i32, i32
  }
  func.func @transform_7(%arg0: i32) -> (i32, i32) {
    %c0_i32 = arith.constant 0 : i32
    %c0_i32_0 = arith.constant 0 : i32
    return %arg0, %c0_i32 : i32, i32
  }
  func.func @transform_8(%arg0: i32) -> (i32, i32) {
    %c0_i32 = arith.constant 0 : i32
    %c0_i32_0 = arith.constant 0 : i32
    %c0_i32_1 = arith.constant 0 : i32
    return %c0_i32, %c0_i32_0 : i32, i32
  }
  func.func @transform_9(%arg0: i32) -> (i32, i32) {
    %c0_i32 = arith.constant 0 : i32
    %c0_i32_0 = arith.constant 0 : i32
    %c0_i32_1 = arith.constant 0 : i32
    return %c0_i32, %c0_i32_0 : i32, i32
  }
  func.func @transform_10(%arg0: i32) -> (i32, i32) {
    %c0_i32 = arith.constant 0 : i32
    %c0_i32_0 = arith.constant 0 : i32
    %c0_i32_1 = arith.constant 0 : i32
    return %c0_i32, %c0_i32_0 : i32, i32
  }
  func.func @transform_11(%arg0: i32) -> (i32, i32) {
    %c0_i32 = arith.constant 0 : i32
    %c0_i32_0 = arith.constant 0 : i32
    %c0_i32_1 = arith.constant 0 : i32
    return %c0_i32, %c0_i32_0 : i32, i32
  }
  func.func @transform_12(%arg0: i32) -> (i32, i32) {
    %c0_i32 = arith.constant 0 : i32
    %c0_i32_0 = arith.constant 0 : i32
    %c0_i32_1 = arith.constant 0 : i32
    return %c0_i32, %c0_i32_0 : i32, i32
  }
  func.func @transform_13(%arg0: i32) -> (i32, i32) {
    %c0_i32 = arith.constant 0 : i32
    %c0_i32_0 = arith.constant 0 : i32
    %c0_i32_1 = arith.constant 0 : i32
    return %c0_i32, %c0_i32_0 : i32, i32
  }
  func.func @transform_14(%arg0: i32) -> (i32, i32) {
    %c0_i32 = arith.constant 0 : i32
    %c0_i32_0 = arith.constant 0 : i32
    return %arg0, %c0_i32 : i32, i32
  }
  func.func @transform_15(%arg0: i32) -> (i32, i32) {
    %c0_i32 = arith.constant 0 : i32
    %c0_i32_0 = arith.constant 0 : i32
    return %arg0, %c0_i32 : i32, i32
  }
}

</mosaic_0001>

<sc_bundles>
// kernel: kernel.10.cloned.1.call-start
scs
__scs_entry_jumppad:
0x0: {  	(pc) =	sbr.rel $0x88, $3  }
0x1: {  	(tag) =	ssettag $0x0;
	lr =	simm.s32 $0x1  }
0x2: {  	[smem:$0x3F95] =	sst lr;
	_ =	strace $0xD0000000  }
0x3: {  	_ = 	snop  }
0x4: {  	_ = 	snop  }
0x5: {  	_ = 	snop  }
0x6: {  	_ = 	snop  }
0x7: {  	_ = 	snop  }
__scs_overlays_trampoline_lowered:
0x8: {  	[smem:$0x3FA4] =	sst s0  }
0x9: {  	[smem:$0x3FA5] =	sst s1  }
0xa: {  	[smem:$0x3FA6] =	sst s2  }
0xb: {  	[smem:$0x3FA7] =	sst s3  }
0xc: {  	[smem:$0x3FA8] =	sst s4  }
0xd: {  	[smem:$0x3FA9] =	sst s5  }
0xe: {  	[smem:$0x3FAA] =	sst s6  }
0xf: {  	[smem:$0x3FAB] =	sst s7  }
0x10: {  	[smem:$0x3FAC] =	sst s8  }
0x11: {  	[smem:$0x3FAD] =	sst s9;
	s0 =	simm.s32 @!p0 $0x0  }
0x12: {  	s1 =	sld [smem:$0x3F93];
	s0 =	simm.s32 @p0 $0x1  }
0x13: {  	[smem:$0x3FAE] =	sst s0;
	s0 =	simm.s32 @!p1 $0x0  }
0x14: {  	s2 =	sld [smem:$0x3F92];
	s0 =	simm.s32 @p1 $0x1  }
0x15: {  	[smem:$0x3FAF] =	sst s0;
	s0 =	simm.s32 @!p2 $0x0  }
0x16: {  	s3 =	sld [smem:$0x3FDB];
	s0 =	simm.s32 @p2 $0x1  }
0x17: {  	s4 =	simm.s32 $0x1BF5;
	[smem:$0x3FB1] =	sst s0  }
0x18: {  	s0 =	sld [smem:$0x3F94];
	_ =	swait.ge [sflag:s4], $0x0  }
0x19: {  	s7 =	sld [smem:$0x3F95]  }
0x1a: {  	s8 =	sadd.s32 $0xFFFFE003, lr  }
0x1b: {  	s9 =	sadd.s32 $0xFFFFFEF7, lr;
	s5 =	simm.s32 $0xFFFFFFFF;
	p2 =	slt.u32 s8, $0xFFFFF086  }
0x1c: {  	p1 =	slt.u32 s9, $0xF7A;
	s5 =	simm.s32 @!p2 $0x0  }
0x1d: {  	s5 =	simm.s32 @p1 $0x1;
	p0 =	seq.s32 s7, s2  }
0x1e: {  	s7 =	smul.u32 @!p0 $0xF7A, s2;
	p2 =	seq.s32 @!p0 s5, $0x0  }
0x1f: {  	s9 =	smul.u32 $0xF7A, s1;
	s8 =	simm.s32 @!p0 $0x1BF5;
	p2 =	por !p2, p0  }
0x20: {  	[sflag:s8] =	ssyncset.s32 @!p0 $0xFFFFF086;
	s6 =	sadd.s32 @!p0 s3, s7;
	s7 =	simm.s32 @!p0 $0x108  }
0x21: {  	s3 =	sadd.s32 s3, s9;
	s6 =	sadd.s32 @!p0 $0x88, s6;
	s7 =	simm.s32 @p2 $0x1082  }
0x22: {  	[simem:s7], [sflag:s8] =	dma.local @!p0 [hbm:s6], $0xF7A  }
0x23: {  	s9 =	sor.u32 $0xD0000000, s2;
	s6 =	simm.s32 $0x108;
	_ =	swait.ge @!p0 [sflag:s8], $0x0  }
0x24: {  	s3 =	sadd.s32 $0x88, s3;
	s6 =	simm.s32 @!p1 $0x1082;
	[sflag:s4] =	ssyncset.s32 $0xFFFFF086  }
0x25: {  	[simem:s6], [sflag:s4] =	dma.local [hbm:s3], $0xF7A  }
0x26: {  	[smem:$0x3F95] =	sst s1;
	(tag) =	ssettag s2;
	_ =	strace s9  }
0x27: {  	s1 =	sld [smem:$0x3FA5]  }
0x28: {  	s2 =	sld [smem:$0x3FA6]  }
0x29: {  	s4 =	sld [smem:$0x3FA8]  }
0x2a: {  	p0 =	seq.s32 s5, $0x0;
	s5 =	sld [smem:$0x3FA9]  }
0x2b: {  	s6 =	sld [smem:$0x3FAA]  }
0x2c: {  	s7 =	sld [smem:$0x3FAB]  }
0x2d: {  	s3 =	simm.s32 $0x108;
	s8 =	sld [smem:$0x3FAC]  }
0x2e: {  	s3 =	simm.s32 @!p0 $0x1082;
	s9 =	sld [smem:$0x3FAD]  }
0x2f: {  	lr =	sadd.s32 s0, s3;
	s0 =	sld [smem:$0x3FA4]  }
0x30: {  	s3 =	sld [smem:$0x3FA7]  }
0x31: {  	[smem:$0x3FB0] =	sst s10  }
0x32: {  	s10 =	sld [smem:$0x3FAE];
	_ =	sdelay $0x3  }
0x33: {  	p0 =	seq.s32 s10, $0x1;
	s10 =	sld [smem:$0x3FB0];
	_ =	sdelay $0x3  }
0x34: {  	[smem:$0x3FB0] =	sst s10  }
0x35: {  	s10 =	sld [smem:$0x3FAF];
	_ =	sdelay $0x3  }
0x36: {  	p1 =	seq.s32 s10, $0x1;
	s10 =	sld [smem:$0x3FB0];
	_ =	sdelay $0x3  }
0x37: {  	[smem:$0x3FB0] =	sst s10  }
0x38: {  	s10 =	sld [smem:$0x3FB1]  }
0x39: {  	_ = 	snop;
	(pc) =	sbr.ind lr, $3  }
0x3a: {  	_ = 	snop  }
0x3b: {  	_ = 	snop  }
0x3c: {  	p2 =	seq.s32 s10, $0x1;
	s10 =	sld [smem:$0x3FB0]  }
0x3d: {  	_ =	shalt  }
0x3e: {  	_ =	shalt  }
0x3f: {  	_ =	shalt  }
0x40: {  	_ =	shalt  }
0x41: {  	_ =	shalt  }
0x42: {  	_ =	shalt  }
0x43: {  	_ =	shalt  }
0x44: {  	_ =	shalt  }
0x45: {  	_ =	shalt  }
0x46: {  	_ =	shalt  }
0x47: {  	_ =	shalt  }
0x48: {  	_ =	shalt  }
0x49: {  	_ =	shalt  }
0x4a: {  	_ =	shalt  }
0x4b: {  	_ =	shalt  }
0x4c: {  	_ =	shalt  }
0x4d: {  	_ =	shalt  }
0x4e: {  	_ =	shalt  }
0x4f: {  	_ =	shalt  }
0x50: {  	_ =	shalt  }
0x51: {  	_ =	shalt  }
0x52: {  	_ =	shalt  }
0x53: {  	_ =	shalt  }
0x54: {  	_ =	shalt  }
0x55: {  	_ =	shalt  }
0x56: {  	_ =	shalt  }
0x57: {  	_ =	shalt  }
0x58: {  	_ =	shalt  }
0x59: {  	_ =	shalt  }
0x5a: {  	_ =	shalt  }
0x5b: {  	_ =	shalt  }
0x5c: {  	_ =	shalt  }
0x5d: {  	_ =	shalt  }
0x5e: {  	_ =	shalt  }
0x5f: {  	_ =	shalt  }
0x60: {  	_ =	shalt  }
0x61: {  	_ =	shalt  }
0x62: {  	_ =	shalt  }
0x63: {  	_ =	shalt  }
0x64: {  	_ =	shalt  }
0x65: {  	_ =	shalt  }
0x66: {  	_ =	shalt  }
0x67: {  	_ =	shalt  }
0x68: {  	_ =	shalt  }
0x69: {  	_ =	shalt  }
0x6a: {  	_ =	shalt  }
0x6b: {  	_ =	shalt  }
0x6c: {  	_ =	shalt  }
0x6d: {  	_ =	shalt  }
0x6e: {  	_ =	shalt  }
0x6f: {  	_ =	shalt  }
0x70: {  	_ =	shalt  }
0x71: {  	_ =	shalt  }
0x72: {  	_ =	shalt  }
0x73: {  	_ =	shalt  }
0x74: {  	_ =	shalt  }
0x75: {  	_ =	shalt  }
0x76: {  	_ =	shalt  }
0x77: {  	_ =	shalt  }
0x78: {  	_ =	shalt  }
0x79: {  	_ =	shalt  }
0x7a: {  	_ =	shalt  }
0x7b: {  	_ =	shalt  }
0x7c: {  	_ =	shalt  }
0x7d: {  	_ =	shalt  }
0x7e: {  	_ =	shalt  }
0x7f: {  	_ =	shalt  }
0x80: {  	_ =	shalt  }
0x81: {  	_ =	shalt  }
0x82: {  	_ =	shalt  }
0x83: {  	_ =	shalt  }
0x84: {  	_ =	shalt  }
0x85: {  	_ =	shalt  }
0x86: {  	_ =	shalt  }
0x87: {  	_ =	shalt  }
.Lfunc_end0:
.L_simem_size_0:
called_computation.1_lowered:
.L_overlay_start_0:
0x88: {  	s2 =	sld [smem:$0x3FD9]  }
0x89: {  	s3 =	sld [smem:$0x3FFE];
	_ =	sdelay $0x1  }
0x8a: {  	s1 =	srdreg.scid  }
0x8b: {  	s0 =	sand.u32 $0x1, s1  }
0x8c: {  	s15 =	sshll.u32 s0, $0xA;
	s2 =	sadd.s32 s3, s2  }
0x8d: {  	s2 =	sadd.s32 s2, s15  }
0x8e: {  	[smem:$0x3FBC] =	sst s2  }
0x8f: {  	_ = 	snop  }
0x90: {  	s2 =	sld [smem:$0x3FD0];
	_ =	sdelay $0x2  }
0x91: {  	s5 =	simm.s32 $0xB;
	s4 =	simm.s32 $0x10;
	s16 =	sld [smem:$0x3FC8]  }
0x92: {  	[smem:s4], [sflag:s5] =	dma.local [hbm:s2], $0x1  }
0x93: {  	_ =	swait.eq [sflag:s5], $0x1  }
0x94: {  	[sflag:s5] =	ssyncset.done $0x0  }
0x95: {  	s17 =	sld [smem:$0x10];
	[sflag:s5] =	ssyncadd.s32 $0xFFFFFFFF  }
0x96: {  	s18 =	sld [smem:$0x11];
	(tm) =	ssettm $0x1  }
0x97: {  	s19 =	sld [smem:$0x3FFB];
	_ =	sdelay $0x3  }
0x98: {  	_ =	strace s19  }
0x99: {  	s2 =	sld [smem:$0x3FFC];
	_ =	sdelay $0x3  }
0x9a: {  	_ =	strace s2  }
0x9b: {  	s2 =	sld [smem:$0x3FFD];
	_ =	sdelay $0x3  }
0x9c: {  	_ =	strace s2  }
0x9d: {  	_ =	strace $0x8FFFFFFF  }
0x9e: {  	s20 =	sld [smem:$0x3FDB];
	_ =	sdelay $0x1  }
0x9f: {  	s6 =	simm.s32 $_scs_section_size  }
0xa0: {  	s7 =	simm.s32 $_size__tile_overlayer_lowered;
	s8 =	simm.s32 $_tile_overlayer_lowered  }
0xa1: {  	s9 =	simm.s32 $0x1BFF;
	s21 =	sshll.u32 s8, $0x1;
	s6 =	sadd.s32 s6, s20  }
0xa2: {  	s22 =	simm.s32 $0x0;
	s7 =	sshll.u32 s7, $0x1;
	s8 =	sadd.s32 s21, s6  }
0xa3: {  	[timem:s22], [sflag:s9] =	dma.local [hbm:s8], s7  }
0xa4: {  	_ =	swait.ge [sflag:s9], s7  }
0xa5: {  	s7 =	ssub.s32 $0x0, s7;
	[sflag:s9] =	ssyncset.done $0x0  }
0xa6: {  	[sflag:s9] =	ssyncadd.s32 s7;
	_ =	sdelay $0x1  }
0xa7: {  	s23 =	simm.s32 $0x1B8B  }
0xa8: {  	_ =	swait.ge [sflag:s23], $0x1  }
0xa9: {  	[sflag:s23] =	ssyncset.done $0x0  }
0xaa: {  	[sflag:s23] =	ssyncadd.s32 $0xFFFFFFFF  }
0xab: {  	s7 =	sld [smem:$0x0]  }
0xac: {  	s8 =	sand.u32 $0xFFFFFFFE, s1  }
0xad: {  	p0 =	sne.s32 s1, s8  }
0xae: {  	s8 =	sshll.u32 @p0 s8, $0xE  }
0xaf: {  	s8 =	sadd.s32 @p0 $0x11B8D, s8;
	s9 =	sshll.u32 @p0 s7, $0x11  }
0xb0: {  	s8 =	sor.u32 @p0 s9, s8  }
0xb1: {  	[sflag:s8] =	ssyncadd.remote.s32 @p0 $0x1;
	_ =	sdelay $0x1  }
0xb2: {  	s8 =	simm.s32 @p0 $0x1B8D  }
0xb3: {  	_ =	swait.eq @p0 [sflag:s8], $0x1  }
0xb4: {  	[sflag:s8] =	ssyncadd.s32 @p0 $0xFFFFFFFF  }
0xb5: {  	s9 =	sshll.u32 @!p0 s1, $0xE  }
0xb6: {  	s9 =	sor.u32 @!p0 $0x4000, s9;
	s8 =	simm.s32 @!p0 $0x1B8D  }
0xb7: {  	s7 =	sshll.u32 @!p0 s7, $0x11;
	s9 =	sadd.s32 @!p0 $0x11B8D, s9;
	_ =	swait.eq @!p0 [sflag:s8], $0x1  }
0xb8: {  	s7 =	sor.u32 @!p0 s7, s9;
	[sflag:s8] =	ssyncadd.s32 @!p0 $0xFFFFFFFF  }
0xb9: {  	s25 =	simm.s32 $0x1B8E;
	s24 =	sld [smem:$0x3FFE];
	[sflag:s7] =	ssyncadd.remote.s32 @!p0 $0x1  }
0xba: {  	s26 =	simm.s32 $execute0_lowered;
	[smem:$0x3FD2] =	sst s25  }
0xbb: {  	s8 =	sshll.u32 s26, $0x1;
	_ =	strace $0x80000049;
	[dreg:$0x1] =	wrdreg $0xFFFFFFFF  }
0xbc: {  	s28 =	simm.s32 $_size_execute0_lowered;
	s6 =	sadd.s32 s6, s8;
	[dreg:$0x0] =	wrdreg $0x0  }
0xbd: {  	s8 =	sshll.u32 s28, $0x1;
	[dreg:$0x2] =	wrdreg s6  }
0xbe: {  	[dreg:$0x3] =	wrdreg s8  }
0xbf: {  	[dreg:$0x4] =	wrdreg $0xC0  }
0xc0: {  	_ =	task [dreg:s22], $0x5FFFF  }
0xc1: {  	[dreg:$0x1] =	wrdreg $0xFFFFFFFF  }
0xc2: {  	[dreg:$0x0] =	wrdreg $0x60  }
0xc3: {  	[dreg:$0x2] =	wrdreg s16  }
0xc4: {  	[dreg:$0x3] =	wrdreg s18  }
0xc5: {  	[dreg:$0x4] =	wrdreg s17  }
0xc6: {  	[dreg:$0x5] =	wrdreg s24  }
0xc7: {  	[dreg:$0x6] =	wrdreg $0x90000  }
0xc8: {  	[dreg:$0x7] =	wrdreg $0xA  }
0xc9: {  	_ =	task.clear_ibuf [dreg:s22], $0x8FFFF;
	_ =	strace $0x90000049  }
0xca: {  	s29 =	simm.s32 $0xA;
	_ =	strace $0x8000004B  }
0xcb: {  	_ =	swait.ge [sflag:s29], $0x1  }
0xcc: {  	[sflag:s29] =	ssyncadd.s32 $0xFFFFFFFF  }
0xcd: {  	_ =	strace $0x9000004B  }
0xce: {  	_ =	sfence  }
0xcf: {  	s30 =	sld [smem:$0x0];
	_ =	sdelay $0x2  }
0xd0: {  	s31 =	sshll.u32 s1, $0xD;
	s1 =	sshrl.u32 s1, $0x2  }
0xd1: {  	s4 =	sand.u32 $0x4000, s31;
	s1 =	sadd.s32 s1, s30  }
0xd2: {  	s0 =	sor.u32 s4, s0;
	s1 =	sshll.u32 s1, $0x11  }
0xd3: {  	s0 =	sor.u32 s1, s0  }
0xd4: {  	s0 =	sadd.s32 $0x8F2B, s0  }
0xd5: {  	[sflag:s0] =	ssyncadd.remote.s32 $0x1  }
0xd6: {  	_ =	sfence.sel $0xFFFF  }
0xd7: {  	[dreg:$0x0] =	wrdreg $0xFFFFFFFF;
	(pc) =	sbr.abs _section_cstart, $3  }
0xd8: {  	[dreg:$0x1] =	wrdreg $0xFFFFFFFF  }
0xd9: {  	_ =	task.clear_ibuf [dreg:s22], $0x2FFFF;
	_ =	strace $0x9FFFFFFF  }
0xda: {  	(tm) =	ssettm $0x7FFFFFFF  }
0xdb: {  	_ =	shalt  }
tec
execute0_lowered:
.L_overlay_start_1:
0x0: {  	(tag) =	ssettag $0x1  }
0x1: {  	s1 =	rddreg [dreg:$0x0]  }
0x2: {  	s7 =	rddreg [dreg:$0x1]  }
0x3: {  	s8 =	rddreg [dreg:$0x2]  }
0x4: {  	s9 =	rddreg [dreg:$0x3]  }
0x5: {  	s3 =	rddreg [dreg:$0x4]  }
0x6: {  	s0 =	rddreg [dreg:$0x5];
	s5 =	srdreg.scid  }
0x7: {  	s4 =	simm.s32 $0x0;
	s2 =	stileid.u32;
	s14 =	simm.s32 $0x2F400  }
0x8: {  	s15 =	simm.s32 $0x5000;
	s16 =	simm.s32 $0x1;
	s17 =	simm.s32 $0x0  }
0x9: {  	s6 =	sand.u32 $0x1, s5;
	[smem:$0x7FF] =	sst s4;
	s11 =	smul.u32 $0x50000, s2  }
0xa: {  	s5 =	sadd.s32 $0x4C00, s9;
	s13 =	sshll.u32 s2, $0x6;
	s30 =	smul.u32 $0x2800, s2  }
0xb: {  	s10 =	ssub.s32 $0x2, s6;
	_ =	strace $0x8000004A;
	s29 =	sshll.u32 s6, $0x4  }
0xc: {  	p0 =	seq.s32 s6, $0x1;
	s6 =	sor.u32 $0x1C02, s13;
	s13 =	simm.s32 $0x2800  }
0xd: {  	s12 =	sshrl.u32 s10, $0x1;
	s11 =	sshrl.u32 s11, $0x2;
	s14 =	simm.s32 @!p0 $0x7400  }
0xe: {  	s10 =	ssub.s32 s10, s12;
	s11 =	sadd.s32 s11, s3;
	s12 =	sor.u32 s2, s29  }
0xf: {  	s31 =	sadd.s32 s14, s9;
	s14 =	simm.s32 $0x80;
	s12 =	smul.u32 $0x500, s12  }
0x10: {  	s9 =	smax.u32 s10, $0x1;
	s10 =	sadd.s32 s31, s30;
	s11 =	sshrl.u32 s11, $0x3  }
0x11: {  	s7 =	sadd.s32 s7, s12;
	s8 =	sadd.s32 s8, s12;
	s12 =	simm.s32 $0x2  }
.LBB2_1:
0x12: {  	[spmem:s11], [sflag:s6] =	dma.local [hbm:s5], $0x2800  }
0x13: {  	_ =	swait.ge [sflag:s12], $0x2800  }
0x14: {  	[sflag:s12] =	ssyncset.done $0x0  }
0x15: {  	[sflag:s12] =	ssyncadd.s32 $0xFFFFD800  }
0x16: {  	[bflag:$0x0] =	sbarrier.arrive $0xFFFF  }
0x17: {  	[tilespmem:s4], [sflag:$0x2] =	stream.linear.gather [hbm4b:s7+s4], $0x2780, $0x38;
	[tilespmem:$0x1D000] =	vst v63  }
0x18: {  	_ =	swait.ge [sflag:s12], $0x2780  }
0x19: {  	[sflag:s12] =	ssyncset.done $0x0  }
0x1a: {  	[sflag:s12] =	ssyncadd.s32 $0xFFFFD880  }
0x1b: {  	[tilespmem:s13], [sflag:$0x2] =	stream.linear.gather [hbm4b:s8+s4], $0x2780, $0x38;
	[tilespmem:$0x1D000] =	vst v63  }
0x1c: {  	_ =	swait.ge [sflag:s12], $0x2780  }
0x1d: {  	[sflag:s12] =	ssyncset.done $0x0  }
0x1e: {  	s18 =	simm.s32 $0x0;
	[sflag:s12] =	ssyncadd.s32 $0xFFFFD880  }
0x1f: {  	[tilespmem:s15], [sflag:$0x1] =	stream.indirect.gather [hbm4b:s1+s14], $0x80, s18, s14, $0xb8;
	[tilespmem:$0x1D000] =	vst v63  }
0x20: {  	_ =	swait.ge [sflag:s16], $0x4000  }
0x21: {  	[sflag:s16] =	ssyncset.done $0x0  }
0x22: {  	s31 =	simm.s32 $0x2800;
	[sflag:s16] =	ssyncadd.s32 $0xFFFFC000  }
0x23: {  	[spmem:s3] =	stream.indirect.scatter.add.f32 [tilespmem:s15], [sflag:$0x2], $0x80, s31, s14, $0xb8;
	[tilespmem:$0x1D000] =	vst v63  }
0x24: {  	_ =	swait.ge [sflag:s12], $0x4000  }
0x25: {  	s19 =	simm.s32 $0x400;
	s18 =	simm.s32 $0x200;
	[sflag:s12] =	ssyncset.done $0x0  }
.LBB2_2:
0x26: {  	s20 =	sshra.s32 s18, $0x2  }
0x27: {  	[sflag:s12] =	ssyncadd.s32 $0xFFFFC000;
	s18 =	smov.u32 s19;
	s21 =	sadd.s32 $0x200, s19  }
0x28: {  	[tilespmem:s15], [sflag:$0x1] =	stream.indirect.gather [hbm4b:s1+s14], $0x80, s20, s14, $0xb8;
	[tilespmem:$0x1D000] =	vst v63  }
0x29: {  	p0 =	sne.s32 s19, $0x9C00;
	_ =	swait.ge [sflag:s16], $0x4000  }
.Ltmp0:
0x2a: {  	[sflag:s16] =	ssyncset.done $0x0;
	(pc) =	sbr.rel @p0 .LBB2_2-.Ltmp0, $4  }
0x2b: {  	s19 =	sadd.s32 $0x2800, s20;
	[sflag:s16] =	ssyncadd.s32 $0xFFFFC000  }
0x2c: {  	[spmem:s3] =	stream.indirect.scatter.add.f32 [tilespmem:s15], [sflag:$0x2], $0x80, s19, s14, $0xb8;
	[tilespmem:$0x1D000] =	vst v63  }
0x2d: {  	_ =	swait.ge [sflag:s12], $0x4000  }
0x2e: {  	s19 =	smov.u32 s21;
	[sflag:s12] =	ssyncset.done $0x0  }
0x2f: {  	s18 =	sshra.s32 s18, $0x2;
	[sflag:s12] =	ssyncadd.s32 $0xFFFFC000  }
0x30: {  	[tilespmem:s15], [sflag:$0x1] =	stream.indirect.gather [hbm4b:s1+s14], $0x80, s18, s14, $0xb8;
	[tilespmem:$0x1D000] =	vst v63  }
0x31: {  	_ =	swait.ge [sflag:s16], $0x4000  }
0x32: {  	[sflag:s16] =	ssyncset.done $0x0  }
0x33: {  	s18 =	sadd.s32 $0x2800, s18;
	[sflag:s16] =	ssyncadd.s32 $0xFFFFC000  }
0x34: {  	[spmem:s3] =	stream.indirect.scatter.add.f32 [tilespmem:s15], [sflag:$0x2], $0x80, s18, s14, $0xb8;
	[tilespmem:$0x1D000] =	vst v63  }
0x35: {  	_ =	swait.ge [sflag:s12], $0x4000  }
0x36: {  	s17 =	sadd.s32 $0x1, s17;
	[sflag:s12] =	ssyncset.done $0x0  }
0x37: {  	p0 =	sne.s32 s17, s9;
	[sflag:s12] =	ssyncadd.s32 $0xFFFFC000  }
.Ltmp1:
0x38: {  	[bflag:$0x0] =	sbarrier.arrive $0xFFFF;
	(pc) =	sbr.rel @p0 .LBB2_1-.Ltmp1, $4  }
0x39: {  	[hbm:s10], [sflag:s6] =	dma.local [spmem:s11], $0x2800  }
0x3a: {  	_ =	swait.ge [sflag:s12], $0x2800  }
0x3b: {  	[sflag:s12] =	ssyncset.done $0x0  }
0x3c: {  	[sflag:s12] =	ssyncadd.s32 $0xFFFFD800  }
0x3d: {  	_ =	sfence.sel $0x180000  }
0x3e: {  	[bflag:$0x0] =	sbarrier.arrive $0xFFFF  }
0x3f: {  	p0 =	sne.s32 s2, $0x0;
	_ =	strace $0x9000004A  }
0x40: {  	s0 =	sadd.s32 @!p0 $0x100000, s0;
	[bflag:$0x2] =	sbarrier.arrive $0xFFFF  }
0x41: {  	[sflag:s0] =	ssyncadd.tile.s32 @!p0 $0x1;
	_ =	shalt  }
.Lfunc_end2:
_tile_overlayer_lowered:
.L_overlay_start_2:
0x42: {  	(tag) =	ssettag $0x2  }
0x43: {  	s0 =	rddreg [dreg:$0x0];
	s2 =	stileid.u32  }
0x44: {  	s1 =	rddreg [dreg:$0x1];
	p0 =	sne.s32 s2, $0x0  }
0x45: {  	s3 =	rddreg [dreg:$0x2];
	[bflag:$0x3] =	sbarrier.arrive $0xFFFF;
	s2 =	simm.s32 @!p0 $0x1C02  }
0x46: {  	[timem:s3], [sflag:s2] =	dma.local @!p0 [hbm:s0], s1  }
0x47: {  	s0 =	simm.s32 @!p0 $0x2  }
0x48: {  	_ =	swait.ge @!p0 [sflag:s0], s1  }
0x49: {  	s1 =	ssub.s32 @!p0 $0x0, s1;
	[sflag:s0] =	ssyncset.done @!p0 $0x0  }
0x4a: {  	[sflag:s0] =	ssyncadd.s32 @!p0 s1  }
0x4b: {  	[bflag:$0x3] =	sbarrier.arrive $0xFFFF  }
0x4c: {  	_ =	shalt  }

// kernel: kernel.13.cloned.1.call-start
scs
__scs_entry_jumppad:
0x0: {  	(pc) =	sbr.rel $0x88, $3  }
0x1: {  	(tag) =	ssettag $0x0;
	lr =	simm.s32 $0x1  }
0x2: {  	[smem:$0x3F95] =	sst lr;
	_ =	strace $0xD0000000  }
0x3: {  	_ = 	snop  }
0x4: {  	_ = 	snop  }
0x5: {  	_ = 	snop  }
0x6: {  	_ = 	snop  }
0x7: {  	_ = 	snop  }
__scs_overlays_trampoline_lowered:
0x8: {  	[smem:$0x3FA4] =	sst s0  }
0x9: {  	[smem:$0x3FA5] =	sst s1  }
0xa: {  	[smem:$0x3FA6] =	sst s2  }
0xb: {  	[smem:$0x3FA7] =	sst s3  }
0xc: {  	[smem:$0x3FA8] =	sst s4  }
0xd: {  	[smem:$0x3FA9] =	sst s5  }
0xe: {  	[smem:$0x3FAA] =	sst s6  }
0xf: {  	[smem:$0x3FAB] =	sst s7  }
0x10: {  	[smem:$0x3FAC] =	sst s8  }
0x11: {  	[smem:$0x3FAD] =	sst s9;
	s0 =	simm.s32 @!p0 $0x0  }
0x12: {  	s1 =	sld [smem:$0x3F93];
	s0 =	simm.s32 @p0 $0x1  }
0x13: {  	[smem:$0x3FAE] =	sst s0;
	s0 =	simm.s32 @!p1 $0x0  }
0x14: {  	s2 =	sld [smem:$0x3F92];
	s0 =	simm.s32 @p1 $0x1  }
0x15: {  	[smem:$0x3FAF] =	sst s0;
	s0 =	simm.s32 @!p2 $0x0  }
0x16: {  	s3 =	sld [smem:$0x3FDB];
	s0 =	simm.s32 @p2 $0x1  }
0x17: {  	s4 =	simm.s32 $0x1BF5;
	[smem:$0x3FB1] =	sst s0  }
0x18: {  	s0 =	sld [smem:$0x3F94];
	_ =	swait.ge [sflag:s4], $0x0  }
0x19: {  	s7 =	sld [smem:$0x3F95]  }
0x1a: {  	s8 =	sadd.s32 $0xFFFFE003, lr  }
0x1b: {  	s9 =	sadd.s32 $0xFFFFFEF7, lr;
	s5 =	simm.s32 $0xFFFFFFFF;
	p2 =	slt.u32 s8, $0xFFFFF086  }
0x1c: {  	p1 =	slt.u32 s9, $0xF7A;
	s5 =	simm.s32 @!p2 $0x0  }
0x1d: {  	s5 =	simm.s32 @p1 $0x1;
	p0 =	seq.s32 s7, s2  }
0x1e: {  	s7 =	smul.u32 @!p0 $0xF7A, s2;
	p2 =	seq.s32 @!p0 s5, $0x0  }
0x1f: {  	s9 =	smul.u32 $0xF7A, s1;
	s8 =	simm.s32 @!p0 $0x1BF5;
	p2 =	por !p2, p0  }
0x20: {  	[sflag:s8] =	ssyncset.s32 @!p0 $0xFFFFF086;
	s6 =	sadd.s32 @!p0 s3, s7;
	s7 =	simm.s32 @!p0 $0x108  }
0x21: {  	s3 =	sadd.s32 s3, s9;
	s6 =	sadd.s32 @!p0 $0x88, s6;
	s7 =	simm.s32 @p2 $0x1082  }
0x22: {  	[simem:s7], [sflag:s8] =	dma.local @!p0 [hbm:s6], $0xF7A  }
0x23: {  	s9 =	sor.u32 $0xD0000000, s2;
	s6 =	simm.s32 $0x108;
	_ =	swait.ge @!p0 [sflag:s8], $0x0  }
0x24: {  	s3 =	sadd.s32 $0x88, s3;
	s6 =	simm.s32 @!p1 $0x1082;
	[sflag:s4] =	ssyncset.s32 $0xFFFFF086  }
0x25: {  	[simem:s6], [sflag:s4] =	dma.local [hbm:s3], $0xF7A  }
0x26: {  	[smem:$0x3F95] =	sst s1;
	(tag) =	ssettag s2;
	_ =	strace s9  }
0x27: {  	s1 =	sld [smem:$0x3FA5]  }
0x28: {  	s2 =	sld [smem:$0x3FA6]  }
0x29: {  	s4 =	sld [smem:$0x3FA8]  }
0x2a: {  	p0 =	seq.s32 s5, $0x0;
	s5 =	sld [smem:$0x3FA9]  }
0x2b: {  	s6 =	sld [smem:$0x3FAA]  }
0x2c: {  	s7 =	sld [smem:$0x3FAB]  }
0x2d: {  	s3 =	simm.s32 $0x108;
	s8 =	sld [smem:$0x3FAC]  }
0x2e: {  	s3 =	simm.s32 @!p0 $0x1082;
	s9 =	sld [smem:$0x3FAD]  }
0x2f: {  	lr =	sadd.s32 s0, s3;
	s0 =	sld [smem:$0x3FA4]  }
0x30: {  	s3 =	sld [smem:$0x3FA7]  }
0x31: {  	[smem:$0x3FB0] =	sst s10  }
0x32: {  	s10 =	sld [smem:$0x3FAE];
	_ =	sdelay $0x3  }
0x33: {  	p0 =	seq.s32 s10, $0x1;
	s10 =	sld [smem:$0x3FB0];
	_ =	sdelay $0x3  }
0x34: {  	[smem:$0x3FB0] =	sst s10  }
0x35: {  	s10 =	sld [smem:$0x3FAF];
	_ =	sdelay $0x3  }
0x36: {  	p1 =	seq.s32 s10, $0x1;
	s10 =	sld [smem:$0x3FB0];
	_ =	sdelay $0x3  }
0x37: {  	[smem:$0x3FB0] =	sst s10  }
0x38: {  	s10 =	sld [smem:$0x3FB1]  }
0x39: {  	_ = 	snop;
	(pc) =	sbr.ind lr, $3  }
0x3a: {  	_ = 	snop  }
0x3b: {  	_ = 	snop  }
0x3c: {  	p2 =	seq.s32 s10, $0x1;
	s10 =	sld [smem:$0x3FB0]  }
0x3d: {  	_ =	shalt  }
0x3e: {  	_ =	shalt  }
0x3f: {  	_ =	shalt  }
0x40: {  	_ =	shalt  }
0x41: {  	_ =	shalt  }
0x42: {  	_ =	shalt  }
0x43: {  	_ =	shalt  }
0x44: {  	_ =	shalt  }
0x45: {  	_ =	shalt  }
0x46: {  	_ =	shalt  }
0x47: {  	_ =	shalt  }
0x48: {  	_ =	shalt  }
0x49: {  	_ =	shalt  }
0x4a: {  	_ =	shalt  }
0x4b: {  	_ =	shalt  }
0x4c: {  	_ =	shalt  }
0x4d: {  	_ =	shalt  }
0x4e: {  	_ =	shalt  }
0x4f: {  	_ =	shalt  }
0x50: {  	_ =	shalt  }
0x51: {  	_ =	shalt  }
0x52: {  	_ =	shalt  }
0x53: {  	_ =	shalt  }
0x54: {  	_ =	shalt  }
0x55: {  	_ =	shalt  }
0x56: {  	_ =	shalt  }
0x57: {  	_ =	shalt  }
0x58: {  	_ =	shalt  }
0x59: {  	_ =	shalt  }
0x5a: {  	_ =	shalt  }
0x5b: {  	_ =	shalt  }
0x5c: {  	_ =	shalt  }
0x5d: {  	_ =	shalt  }
0x5e: {  	_ =	shalt  }
0x5f: {  	_ =	shalt  }
0x60: {  	_ =	shalt  }
0x61: {  	_ =	shalt  }
0x62: {  	_ =	shalt  }
0x63: {  	_ =	shalt  }
0x64: {  	_ =	shalt  }
0x65: {  	_ =	shalt  }
0x66: {  	_ =	shalt  }
0x67: {  	_ =	shalt  }
0x68: {  	_ =	shalt  }
0x69: {  	_ =	shalt  }
0x6a: {  	_ =	shalt  }
0x6b: {  	_ =	shalt  }
0x6c: {  	_ =	shalt  }
0x6d: {  	_ =	shalt  }
0x6e: {  	_ =	shalt  }
0x6f: {  	_ =	shalt  }
0x70: {  	_ =	shalt  }
0x71: {  	_ =	shalt  }
0x72: {  	_ =	shalt  }
0x73: {  	_ =	shalt  }
0x74: {  	_ =	shalt  }
0x75: {  	_ =	shalt  }
0x76: {  	_ =	shalt  }
0x77: {  	_ =	shalt  }
0x78: {  	_ =	shalt  }
0x79: {  	_ =	shalt  }
0x7a: {  	_ =	shalt  }
0x7b: {  	_ =	shalt  }
0x7c: {  	_ =	shalt  }
0x7d: {  	_ =	shalt  }
0x7e: {  	_ =	shalt  }
0x7f: {  	_ =	shalt  }
0x80: {  	_ =	shalt  }
0x81: {  	_ =	shalt  }
0x82: {  	_ =	shalt  }
0x83: {  	_ =	shalt  }
0x84: {  	_ =	shalt  }
0x85: {  	_ =	shalt  }
0x86: {  	_ =	shalt  }
0x87: {  	_ =	shalt  }
.Lfunc_end0:
.L_simem_size_0:
called_computation.2_lowered:
.L_overlay_start_0:
0x88: {  	s2 =	sld [smem:$0x3FD9]  }
0x89: {  	s3 =	sld [smem:$0x3FFE];
	_ =	sdelay $0x1  }
0x8a: {  	s1 =	srdreg.scid  }
0x8b: {  	s0 =	sand.u32 $0x1, s1  }
0x8c: {  	s14 =	sshll.u32 s0, $0xA;
	s2 =	sadd.s32 s3, s2  }
0x8d: {  	s2 =	sadd.s32 s2, s14  }
0x8e: {  	[smem:$0x3FBC] =	sst s2  }
0x8f: {  	_ = 	snop  }
0x90: {  	s2 =	sld [smem:$0x3FD0];
	_ =	sdelay $0x2  }
0x91: {  	s15 =	simm.s32 $0xB;
	s4 =	simm.s32 $0x10  }
0x92: {  	[smem:s4], [sflag:s15] =	dma.local [hbm:s2], $0x1  }
0x93: {  	_ =	swait.eq [sflag:s15], $0x1  }
0x94: {  	[sflag:s15] =	ssyncset.done $0x0  }
0x95: {  	s16 =	sld [smem:$0x10];
	[sflag:s15] =	ssyncadd.s32 $0xFFFFFFFF  }
0x96: {  	s17 =	sld [smem:$0x11];
	(tm) =	ssettm $0x1  }
0x97: {  	s18 =	sld [smem:$0x3FFB];
	_ =	sdelay $0x3  }
0x98: {  	_ =	strace s18  }
0x99: {  	s4 =	sld [smem:$0x3FFC];
	_ =	sdelay $0x3  }
0x9a: {  	_ =	strace s4  }
0x9b: {  	s4 =	sld [smem:$0x3FFD];
	_ =	sdelay $0x3  }
0x9c: {  	_ =	strace s4  }
0x9d: {  	_ =	strace $0x8FFFFFFF  }
0x9e: {  	s19 =	sld [smem:$0x3FDB];
	_ =	sdelay $0x1  }
0x9f: {  	s5 =	simm.s32 $_scs_section_size  }
0xa0: {  	s6 =	simm.s32 $_size__tile_overlayer_lowered;
	s7 =	simm.s32 $_tile_overlayer_lowered  }
0xa1: {  	s22 =	simm.s32 $0x1BFF;
	s21 =	sshll.u32 s7, $0x1;
	s4 =	sadd.s32 s5, s19  }
0xa2: {  	s8 =	simm.s32 $0x0;
	s20 =	sshll.u32 s6, $0x1;
	s6 =	sadd.s32 s21, s4  }
0xa3: {  	[timem:s8], [sflag:s22] =	dma.local [hbm:s6], s20  }
0xa4: {  	_ =	swait.ge [sflag:s22], s20  }
0xa5: {  	s5 =	ssub.s32 $0x0, s20;
	[sflag:s22] =	ssyncset.done $0x0  }
0xa6: {  	[sflag:s22] =	ssyncadd.s32 s5;
	_ =	sdelay $0x1  }
0xa7: {  	s23 =	simm.s32 $0x1B8B  }
0xa8: {  	_ =	swait.ge [sflag:s23], $0x1  }
0xa9: {  	[sflag:s23] =	ssyncset.done $0x0  }
0xaa: {  	s25 =	simm.s32 $0x1B8E;
	s24 =	sld [smem:$0x3FFE];
	[sflag:s23] =	ssyncadd.s32 $0xFFFFFFFF  }
0xab: {  	s26 =	simm.s32 $execute0_lowered;
	[smem:$0x3FD2] =	sst s25  }
0xac: {  	s6 =	sshll.u32 s26, $0x1;
	_ =	strace $0x8000004C;
	[dreg:$0x1] =	wrdreg $0xFFFFFFFF  }
0xad: {  	s28 =	simm.s32 $_size_execute0_lowered;
	s4 =	sadd.s32 s4, s6;
	[dreg:$0x0] =	wrdreg $0x0  }
0xae: {  	s6 =	sshll.u32 s28, $0x1;
	[dreg:$0x2] =	wrdreg s4  }
0xaf: {  	[dreg:$0x3] =	wrdreg s6  }
0xb0: {  	[dreg:$0x4] =	wrdreg $0xC0  }
0xb1: {  	_ =	task [dreg:s8], $0x5FFFF  }
0xb2: {  	[dreg:$0x1] =	wrdreg $0xFFFFFFFF  }
0xb3: {  	[dreg:$0x0] =	wrdreg $0x60  }
0xb4: {  	[dreg:$0x2] =	wrdreg s24  }
0xb5: {  	[dreg:$0x3] =	wrdreg s17  }
0xb6: {  	[dreg:$0x4] =	wrdreg s16  }
0xb7: {  	[dreg:$0x5] =	wrdreg $0x96000  }
0xb8: {  	[dreg:$0x6] =	wrdreg $0x9  }
0xb9: {  	_ =	task.clear_ibuf [dreg:s8], $0x7FFFF;
	_ =	strace $0x9000004C  }
0xba: {  	s29 =	simm.s32 $0x9;
	_ =	strace $0x8000004E  }
0xbb: {  	_ =	swait.ge [sflag:s29], $0x1  }
0xbc: {  	[sflag:s29] =	ssyncadd.s32 $0xFFFFFFFF  }
0xbd: {  	_ =	strace $0x9000004E  }
0xbe: {  	_ =	sfence  }
0xbf: {  	s30 =	sld [smem:$0x0];
	_ =	sdelay $0x2  }
0xc0: {  	s31 =	sshll.u32 s1, $0xD;
	s1 =	sshrl.u32 s1, $0x2  }
0xc1: {  	s3 =	sand.u32 $0x4000, s31;
	s1 =	sadd.s32 s1, s30  }
0xc2: {  	s0 =	sor.u32 s3, s0;
	s1 =	sshll.u32 s1, $0x11  }
0xc3: {  	s0 =	sor.u32 s1, s0  }
0xc4: {  	s0 =	sadd.s32 $0x8F2B, s0  }
0xc5: {  	[sflag:s0] =	ssyncadd.remote.s32 $0x1  }
0xc6: {  	_ =	sfence.sel $0xFFFF  }
0xc7: {  	[dreg:$0x0] =	wrdreg $0xFFFFFFFF;
	(pc) =	sbr.abs _section_cstart, $3  }
0xc8: {  	[dreg:$0x1] =	wrdreg $0xFFFFFFFF  }
0xc9: {  	_ =	task.clear_ibuf [dreg:s8], $0x2FFFF;
	_ =	strace $0x9FFFFFFF  }
0xca: {  	(tm) =	ssettm $0x7FFFFFFF  }
0xcb: {  	_ =	shalt  }
tec
execute0_lowered:
.L_overlay_start_1:
0x0: {  	(tag) =	ssettag $0x1  }
0x1: {  	s0 =	rddreg [dreg:$0x0]  }
0x2: {  	s3 =	rddreg [dreg:$0x1]  }
0x3: {  	s5 =	rddreg [dreg:$0x2]  }
0x4: {  	s1 =	rddreg [dreg:$0x3];
	s2 =	simm.s32 $0x0  }
0x5: {  	s4 =	srdreg.scid;
	s21 =	stileid.u32;
	s28 =	simm.s32 $0x9400  }
0x6: {  	s29 =	simm.s32 $0x80;
	s30 =	simm.s32 $0x5000;
	s31 =	simm.s32 $0x1  }
0x7: {  	[smem:$0x7FF] =	sst s2;
	s14 =	sand.u32 $0x1, s4;
	s4 =	sadd.s32 $0x7400, s0  }
0x8: {  	s7 =	sadd.s32 $0x4C00, s0;
	s20 =	sshll.u32 s21, $0x7;
	s17 =	sadd.s32 $0xA8400, s0  }
0x9: {  	s18 =	sadd.s32 $0xF8400, s0;
	s9 =	smul.u32 $0x50000, s21;
	s19 =	sadd.s32 $0x120400, s0  }
0xa: {  	s24 =	sshll.u32 s21, $0x6;
	_ =	strace $0x8000004D;
	s6 =	sshll.u32 s14, $0x4  }
0xb: {  	[dreg:$0x5] =	wrdreg s7;
	s12 =	sadd.s32 s20, s0;
	s7 =	sadd.s32 $0xD0400, s0  }
0xc: {  	s8 =	ssub.s32 $0x2, s14;
	p0 =	seq.s32 s14, $0x0;
	s13 =	sor.u32 s21, s6  }
0xd: {  	s6 =	sadd.s32 $0x2E600, s0;
	s10 =	sshrl.u32 s8, $0x1;
	s23 =	sshrl.u32 s9, $0x2  }
0xe: {  	s9 =	sor.u32 $0x1C02, s24;
	s12 =	sadd.s32 $0x57C00, s12;
	s21 =	smul.u32 $0x2800, s21  }
0xf: {  	s7 =	smov.u32 @p0 s17;
	s19 =	smov.u32 @p0 s18;
	s11 =	smul.u32 $0x500, s13  }
0x10: {  	s24 =	simm.s32 $0x2;
	s22 =	sshll.u32 s13, $0x6;
	s16 =	smul.u32 $0xC000, s13  }
0x11: {  	s20 =	ssub.s32 s8, s10;
	s8 =	sadd.s32 s23, s1;
	s25 =	smul.u32 $0x1800, s13  }
0x12: {  	s15 =	sadd.s32 s22, s0;
	s0 =	sadd.s32 $0x148400, s0;
	[dreg:$0x6] =	wrdreg s8  }
0x13: {  	s17 =	smax.u32 s20, $0x1;
	s18 =	sadd.s32 s7, s21;
	s19 =	sadd.s32 s19, s21  }
0x14: {  	s3 =	sadd.s32 s3, s11;
	s11 =	sadd.s32 s5, s11;
	s26 =	sshrl.u32 s16, $0x3  }
0x15: {  	s13 =	sadd.s32 $0x57400, s15;
	s14 =	sadd.s32 s0, s25;
	s20 =	sadd.s32 $0x800, s19  }
0x16: {  	s21 =	sadd.s32 $0x1000, s19;
	s22 =	sadd.s32 $0x1800, s19;
	s23 =	sadd.s32 $0x2000, s19  }
0x17: {  	[dreg:$0x7] =	wrdreg s3;
	s5 =	sadd.s32 s0, s26;
	s26 =	simm.s32 $0x9000  }
0x18: {  	s0 =	simm.s32 $0x0;
	s15 =	sadd.s32 $0x800, s5;
	s16 =	sadd.s32 $0x1000, s5  }
.LBB2_1:
0x19: {  	s3 =	rddreg [dreg:$0x6]  }
0x1a: {  	s5 =	rddreg [dreg:$0x5];
	s3 =	sshrl.u32 s3, $0x3  }
0x1b: {  	[spmem:s3], [sflag:s9] =	dma.local [hbm:s5], $0x2800  }
0x1c: {  	_ =	swait.ge [sflag:s24], $0x2800  }
0x1d: {  	[sflag:s24] =	ssyncset.done $0x0  }
0x1e: {  	s25 =	rddreg [dreg:$0x7];
	[sflag:s24] =	ssyncadd.s32 $0xFFFFD800  }
0x1f: {  	[tilespmem:s2], [sflag:$0x2] =	stream.linear.gather [hbm4b:s25+s2], $0x2780, $0x38;
	[tilespmem:$0x1D600] =	vst v63  }
0x20: {  	_ =	swait.ge [sflag:s24], $0x2780  }
0x21: {  	[sflag:s24] =	ssyncset.done $0x0  }
0x22: {  	s8 =	simm.s32 $0x2800;
	[sflag:s24] =	ssyncadd.s32 $0xFFFFD880  }
0x23: {  	[tilespmem:s8], [sflag:$0x2] =	stream.linear.gather [hbm4b:s11+s2], $0x2780, $0x38;
	[tilespmem:$0x1D600] =	vst v63  }
0x24: {  	_ =	swait.ge [sflag:s24], $0x2780  }
0x25: {  	[sflag:s24] =	ssyncset.done $0x0  }
0x26: {  	[sflag:s24] =	ssyncadd.s32 $0xFFFFD880  }
0x27: {  	[tilespmem:s26], [sflag:$0x2] =	stream.linear.gather [hbm4b:s12+s2], $0x280, $0x38;
	[tilespmem:$0x1D600] =	vst v63  }
0x28: {  	_ =	swait.ge [sflag:s24], $0x280  }
0x29: {  	[sflag:s24] =	ssyncset.done $0x0  }
0x2a: {  	[sflag:s24] =	ssyncadd.s32 $0xFFFFFD80  }
0x2b: {  	[tilespmem:s28], [sflag:$0x2] =	stream.linear.gather [hbm4b:s13+s2], $0x180, $0x38;
	[tilespmem:$0x1D600] =	vst v63  }
0x2c: {  	_ =	swait.ge [sflag:s24], $0x180  }
0x2d: {  	[sflag:s24] =	ssyncset.done $0x0  }
0x2e: {  	[sflag:s24] =	ssyncadd.s32 $0xFFFFFE80  }
0x2f: {  	s10 =	simm.s32 $0x0;
	[bflag:$0x0] =	sbarrier.arrive $0xFFFF  }
0x30: {  	[tilespmem:s30], [sflag:$0x1] =	stream.indirect.gather [hbm4b:s4+s29], $0x80, s10, s29, $0xb8;
	[tilespmem:$0x1D600] =	vst v63  }
0x31: {  	_ =	swait.ge [sflag:s31], $0x4000  }
0x32: {  	[sflag:s31] =	ssyncset.done $0x0  }
0x33: {  	s25 =	simm.s32 $0x2800;
	[sflag:s31] =	ssyncadd.s32 $0xFFFFC000  }
0x34: {  	[spmem:s1] =	stream.indirect.scatter.add.f32 [tilespmem:s30], [sflag:$0x2], $0x80, s25, s29, $0xb8;
	[tilespmem:$0x1D600] =	vst v63  }
0x35: {  	_ =	swait.ge [sflag:s24], $0x4000  }
0x36: {  	s5 =	simm.s32 $0x400;
	s25 =	simm.s32 $0x200;
	[sflag:s24] =	ssyncset.done $0x0  }
.LBB2_2:
0x37: {  	s8 =	sshra.s32 s25, $0x2  }
0x38: {  	[sflag:s24] =	ssyncadd.s32 $0xFFFFC000;
	s25 =	smov.u32 s5;
	s10 =	sadd.s32 $0x200, s5  }
0x39: {  	[tilespmem:s30], [sflag:$0x1] =	stream.indirect.gather [hbm4b:s4+s29], $0x80, s8, s29, $0xb8;
	[tilespmem:$0x1D600] =	vst v63  }
0x3a: {  	p0 =	sne.s32 s5, $0x9C00;
	_ =	swait.ge [sflag:s31], $0x4000  }
.Ltmp0:
0x3b: {  	[sflag:s31] =	ssyncset.done $0x0;
	(pc) =	sbr.rel @p0 .LBB2_2-.Ltmp0, $4  }
0x3c: {  	s5 =	sadd.s32 $0x2800, s8;
	[sflag:s31] =	ssyncadd.s32 $0xFFFFC000  }
0x3d: {  	[spmem:s1] =	stream.indirect.scatter.add.f32 [tilespmem:s30], [sflag:$0x2], $0x80, s5, s29, $0xb8;
	[tilespmem:$0x1D600] =	vst v63  }
0x3e: {  	_ =	swait.ge [sflag:s24], $0x4000  }
0x3f: {  	s5 =	smov.u32 s10;
	[sflag:s24] =	ssyncset.done $0x0  }
0x40: {  	s5 =	sshra.s32 s25, $0x2;
	[sflag:s24] =	ssyncadd.s32 $0xFFFFC000  }
0x41: {  	[tilespmem:s30], [sflag:$0x1] =	stream.indirect.gather [hbm4b:s4+s29], $0x80, s5, s29, $0xb8;
	[tilespmem:$0x1D600] =	vst v63  }
0x42: {  	_ =	swait.ge [sflag:s31], $0x4000  }
0x43: {  	[sflag:s31] =	ssyncset.done $0x0  }
0x44: {  	s5 =	sadd.s32 $0x2800, s5;
	[sflag:s31] =	ssyncadd.s32 $0xFFFFC000  }
0x45: {  	[spmem:s1] =	stream.indirect.scatter.add.f32 [tilespmem:s30], [sflag:$0x2], $0x80, s5, s29, $0xb8;
	[tilespmem:$0x1D600] =	vst v63  }
0x46: {  	_ =	swait.ge [sflag:s24], $0x4000  }
0x47: {  	[sflag:s24] =	ssyncset.done $0x0  }
0x48: {  	[sflag:s24] =	ssyncadd.s32 $0xFFFFC000  }
0x49: {  	[bflag:$0x0] =	sbarrier.arrive $0xFFFF  }
0x4a: {  	[hbm:s18], [sflag:s9] =	dma.local [spmem:s3], $0x2800  }
0x4b: {  	_ =	swait.ge [sflag:s24], $0x2800  }
0x4c: {  	[sflag:s24] =	ssyncset.done $0x0  }
0x4d: {  	[sflag:s24] =	ssyncadd.s32 $0xFFFFD800  }
0x4e: {  	[bflag:$0x0] =	sbarrier.arrive $0xFFFF  }
0x4f: {  	[tilespmem:s30], [sflag:$0x1] =	stream.indirect.gather [hbm4b:s7+s29], $0x80, s26, s29, $0xb8;
	[tilespmem:$0x1D600] =	vst v63  }
0x50: {  	_ =	swait.ge [sflag:s31], $0x4000  }
0x51: {  	[sflag:s31] =	ssyncset.done $0x0  }
0x52: {  	[sflag:s31] =	ssyncadd.s32 $0xFFFFC000  }
0x53: {  	[hbm4b:s19+s2] =	stream.linear.scatter [tilespmem:s30], [sflag:$0x2], $0x4000, $0x38;
	[tilespmem:$0x1D600] =	vst v63  }
0x54: {  	_ =	swait.ge [sflag:s24], $0x4000  }
0x55: {  	[sflag:s24] =	ssyncset.done $0x0  }
0x56: {  	s10 =	simm.s32 $0x9080;
	[sflag:s24] =	ssyncadd.s32 $0xFFFFC000  }
0x57: {  	[tilespmem:s30], [sflag:$0x1] =	stream.indirect.gather [hbm4b:s7+s29], $0x80, s10, s29, $0xb8;
	[tilespmem:$0x1D600] =	vst v63  }
0x58: {  	_ =	swait.ge [sflag:s31], $0x4000  }
0x59: {  	[sflag:s31] =	ssyncset.done $0x0  }
0x5a: {  	[sflag:s31] =	ssyncadd.s32 $0xFFFFC000  }
0x5b: {  	[hbm4b:s20+s2] =	stream.linear.scatter [tilespmem:s30], [sflag:$0x2], $0x4000, $0x38;
	[tilespmem:$0x1D600] =	vst v63  }
0x5c: {  	_ =	swait.ge [sflag:s24], $0x4000  }
0x5d: {  	[sflag:s24] =	ssyncset.done $0x0  }
0x5e: {  	s25 =	simm.s32 $0x9100;
	[sflag:s24] =	ssyncadd.s32 $0xFFFFC000  }
0x5f: {  	[tilespmem:s30], [sflag:$0x1] =	stream.indirect.gather [hbm4b:s7+s29], $0x80, s25, s29, $0xb8;
	[tilespmem:$0x1D600] =	vst v63  }
0x60: {  	_ =	swait.ge [sflag:s31], $0x4000  }
0x61: {  	[sflag:s31] =	ssyncset.done $0x0  }
0x62: {  	[sflag:s31] =	ssyncadd.s32 $0xFFFFC000  }
0x63: {  	[hbm4b:s21+s2] =	stream.linear.scatter [tilespmem:s30], [sflag:$0x2], $0x4000, $0x38;
	[tilespmem:$0x1D600] =	vst v63  }
0x64: {  	_ =	swait.ge [sflag:s24], $0x4000  }
0x65: {  	[sflag:s24] =	ssyncset.done $0x0  }
0x66: {  	s5 =	simm.s32 $0x9180;
	[sflag:s24] =	ssyncadd.s32 $0xFFFFC000  }
0x67: {  	[tilespmem:s30], [sflag:$0x1] =	stream.indirect.gather [hbm4b:s7+s29], $0x80, s5, s29, $0xb8;
	[tilespmem:$0x1D600] =	vst v63  }
0x68: {  	_ =	swait.ge [sflag:s31], $0x4000  }
0x69: {  	[sflag:s31] =	ssyncset.done $0x0  }
0x6a: {  	[sflag:s31] =	ssyncadd.s32 $0xFFFFC000  }
0x6b: {  	[hbm4b:s22+s2] =	stream.linear.scatter [tilespmem:s30], [sflag:$0x2], $0x4000, $0x38;
	[tilespmem:$0x1D600] =	vst v63  }
0x6c: {  	_ =	swait.ge [sflag:s24], $0x4000  }
0x6d: {  	[sflag:s24] =	ssyncset.done $0x0  }
0x6e: {  	s8 =	simm.s32 $0x9200;
	[sflag:s24] =	ssyncadd.s32 $0xFFFFC000  }
0x6f: {  	[tilespmem:s30], [sflag:$0x1] =	stream.indirect.gather [hbm4b:s7+s29], $0x80, s8, s29, $0xb8;
	[tilespmem:$0x1D600] =	vst v63  }
0x70: {  	_ =	swait.ge [sflag:s31], $0x4000  }
0x71: {  	[sflag:s31] =	ssyncset.done $0x0  }
0x72: {  	[sflag:s31] =	ssyncadd.s32 $0xFFFFC000  }
0x73: {  	[hbm4b:s23+s2] =	stream.linear.scatter [tilespmem:s30], [sflag:$0x2], $0x4000, $0x38;
	[tilespmem:$0x1D600] =	vst v63  }
0x74: {  	_ =	swait.ge [sflag:s24], $0x4000  }
0x75: {  	[sflag:s24] =	ssyncset.done $0x0  }
0x76: {  	[sflag:s24] =	ssyncadd.s32 $0xFFFFC000  }
0x77: {  	[tilespmem:s30], [sflag:$0x1] =	stream.indirect.gather [hbm4b:s6+s29], $0x80, s28, s29, $0xb8;
	[tilespmem:$0x1D600] =	vst v63  }
0x78: {  	_ =	swait.ge [sflag:s31], $0x4000  }
0x79: {  	[sflag:s31] =	ssyncset.done $0x0  }
0x7a: {  	[sflag:s31] =	ssyncadd.s32 $0xFFFFC000  }
0x7b: {  	[hbm4b:s14+s2] =	stream.linear.scatter [tilespmem:s30], [sflag:$0x2], $0x4000, $0x38;
	[tilespmem:$0x1D600] =	vst v63  }
0x7c: {  	_ =	swait.ge [sflag:s24], $0x4000  }
0x7d: {  	[sflag:s24] =	ssyncset.done $0x0  }
0x7e: {  	s10 =	simm.s32 $0x9480;
	[sflag:s24] =	ssyncadd.s32 $0xFFFFC000  }
0x7f: {  	[tilespmem:s30], [sflag:$0x1] =	stream.indirect.gather [hbm4b:s6+s29], $0x80, s10, s29, $0xb8;
	[tilespmem:$0x1D600] =	vst v63  }
0x80: {  	_ =	swait.ge [sflag:s31], $0x4000  }
0x81: {  	[sflag:s31] =	ssyncset.done $0x0  }
0x82: {  	[sflag:s31] =	ssyncadd.s32 $0xFFFFC000  }
0x83: {  	[hbm4b:s15+s2] =	stream.linear.scatter [tilespmem:s30], [sflag:$0x2], $0x4000, $0x38;
	[tilespmem:$0x1D600] =	vst v63  }
0x84: {  	_ =	swait.ge [sflag:s24], $0x4000  }
0x85: {  	[sflag:s24] =	ssyncset.done $0x0  }
0x86: {  	s25 =	simm.s32 $0x9500;
	[sflag:s24] =	ssyncadd.s32 $0xFFFFC000  }
0x87: {  	[tilespmem:s30], [sflag:$0x1] =	stream.indirect.gather [hbm4b:s6+s29], $0x80, s25, s29, $0xb8;
	[tilespmem:$0x1D600] =	vst v63  }
0x88: {  	s0 =	sadd.s32 $0x1, s0;
	_ =	swait.ge [sflag:s31], $0x4000  }
0x89: {  	p0 =	sne.s32 s0, s17;
	[sflag:s31] =	ssyncset.done $0x0  }
.Ltmp1:
0x8a: {  	[sflag:s31] =	ssyncadd.s32 $0xFFFFC000;
	(pc) =	sbr.rel @p0 .LBB2_1-.Ltmp1, $4  }
0x8b: {  	[hbm4b:s16+s2] =	stream.linear.scatter [tilespmem:s30], [sflag:$0x2], $0x4000, $0x38;
	[tilespmem:$0x1D600] =	vst v63  }
0x8c: {  	_ =	swait.ge [sflag:s24], $0x4000  }
0x8d: {  	[sflag:s24] =	ssyncset.done $0x0  }
0x8e: {  	[sflag:s24] =	ssyncadd.s32 $0xFFFFC000  }
0x8f: {  	_ =	sfence.sel $0x180000  }
0x90: {  	[bflag:$0x0] =	sbarrier.arrive $0xFFFF  }
0x91: {  	_ =	strace $0x9000004D  }
0x92: {  	s0 =	stileid.u32;
	[bflag:$0x2] =	sbarrier.arrive $0xFFFF  }
0x93: {  	p0 =	sne.s32 s0, $0x0;
	s0 =	rddreg [dreg:$0x4]  }
0x94: {  	s0 =	sadd.s32 @!p0 $0x100000, s0  }
0x95: {  	[sflag:s0] =	ssyncadd.tile.s32 @!p0 $0x1;
	_ =	shalt  }
.Lfunc_end2:
_tile_overlayer_lowered:
.L_overlay_start_2:
0x96: {  	(tag) =	ssettag $0x2  }
0x97: {  	s0 =	rddreg [dreg:$0x0];
	s2 =	stileid.u32  }
0x98: {  	s1 =	rddreg [dreg:$0x1];
	p0 =	sne.s32 s2, $0x0  }
0x99: {  	s3 =	rddreg [dreg:$0x2];
	[bflag:$0x3] =	sbarrier.arrive $0xFFFF;
	s2 =	simm.s32 @!p0 $0x1C02  }
0x9a: {  	[timem:s3], [sflag:s2] =	dma.local @!p0 [hbm:s0], s1  }
0x9b: {  	s0 =	simm.s32 @!p0 $0x2  }
0x9c: {  	_ =	swait.ge @!p0 [sflag:s0], s1  }
0x9d: {  	s1 =	ssub.s32 @!p0 $0x0, s1;
	[sflag:s0] =	ssyncset.done @!p0 $0x0  }
0x9e: {  	[sflag:s0] =	ssyncadd.s32 @!p0 s1  }
0x9f: {  	[bflag:$0x3] =	sbarrier.arrive $0xFFFF  }
0xa0: {  	_ =	shalt  }

// kernel: kernel.7.cloned.1.call-start
scs
__scs_entry_jumppad:
0x0: {  	(pc) =	sbr.rel $0x88, $3  }
0x1: {  	(tag) =	ssettag $0x0;
	lr =	simm.s32 $0x1  }
0x2: {  	[smem:$0x3F95] =	sst lr;
	_ =	strace $0xD0000000  }
0x3: {  	_ = 	snop  }
0x4: {  	_ = 	snop  }
0x5: {  	_ = 	snop  }
0x6: {  	_ = 	snop  }
0x7: {  	_ = 	snop  }
__scs_overlays_trampoline_lowered:
0x8: {  	[smem:$0x3FA4] =	sst s0  }
0x9: {  	[smem:$0x3FA5] =	sst s1  }
0xa: {  	[smem:$0x3FA6] =	sst s2  }
0xb: {  	[smem:$0x3FA7] =	sst s3  }
0xc: {  	[smem:$0x3FA8] =	sst s4  }
0xd: {  	[smem:$0x3FA9] =	sst s5  }
0xe: {  	[smem:$0x3FAA] =	sst s6  }
0xf: {  	[smem:$0x3FAB] =	sst s7  }
0x10: {  	[smem:$0x3FAC] =	sst s8  }
0x11: {  	[smem:$0x3FAD] =	sst s9;
	s0 =	simm.s32 @!p0 $0x0  }
0x12: {  	s1 =	sld [smem:$0x3F93];
	s0 =	simm.s32 @p0 $0x1  }
0x13: {  	[smem:$0x3FAE] =	sst s0;
	s0 =	simm.s32 @!p1 $0x0  }
0x14: {  	s2 =	sld [smem:$0x3F92];
	s0 =	simm.s32 @p1 $0x1  }
0x15: {  	[smem:$0x3FAF] =	sst s0;
	s0 =	simm.s32 @!p2 $0x0  }
0x16: {  	s3 =	sld [smem:$0x3FDB];
	s0 =	simm.s32 @p2 $0x1  }
0x17: {  	s4 =	simm.s32 $0x1BF5;
	[smem:$0x3FB1] =	sst s0  }
0x18: {  	s0 =	sld [smem:$0x3F94];
	_ =	swait.ge [sflag:s4], $0x0  }
0x19: {  	s7 =	sld [smem:$0x3F95]  }
0x1a: {  	s8 =	sadd.s32 $0xFFFFE003, lr  }
0x1b: {  	s9 =	sadd.s32 $0xFFFFFEF7, lr;
	s5 =	simm.s32 $0xFFFFFFFF;
	p2 =	slt.u32 s8, $0xFFFFF086  }
0x1c: {  	p1 =	slt.u32 s9, $0xF7A;
	s5 =	simm.s32 @!p2 $0x0  }
0x1d: {  	s5 =	simm.s32 @p1 $0x1;
	p0 =	seq.s32 s7, s2  }
0x1e: {  	s7 =	smul.u32 @!p0 $0xF7A, s2;
	p2 =	seq.s32 @!p0 s5, $0x0  }
0x1f: {  	s9 =	smul.u32 $0xF7A, s1;
	s8 =	simm.s32 @!p0 $0x1BF5;
	p2 =	por !p2, p0  }
0x20: {  	[sflag:s8] =	ssyncset.s32 @!p0 $0xFFFFF086;
	s6 =	sadd.s32 @!p0 s3, s7;
	s7 =	simm.s32 @!p0 $0x108  }
0x21: {  	s3 =	sadd.s32 s3, s9;
	s6 =	sadd.s32 @!p0 $0x88, s6;
	s7 =	simm.s32 @p2 $0x1082  }
0x22: {  	[simem:s7], [sflag:s8] =	dma.local @!p0 [hbm:s6], $0xF7A  }
0x23: {  	s9 =	sor.u32 $0xD0000000, s2;
	s6 =	simm.s32 $0x108;
	_ =	swait.ge @!p0 [sflag:s8], $0x0  }
0x24: {  	s3 =	sadd.s32 $0x88, s3;
	s6 =	simm.s32 @!p1 $0x1082;
	[sflag:s4] =	ssyncset.s32 $0xFFFFF086  }
0x25: {  	[simem:s6], [sflag:s4] =	dma.local [hbm:s3], $0xF7A  }
0x26: {  	[smem:$0x3F95] =	sst s1;
	(tag) =	ssettag s2;
	_ =	strace s9  }
0x27: {  	s1 =	sld [smem:$0x3FA5]  }
0x28: {  	s2 =	sld [smem:$0x3FA6]  }
0x29: {  	s4 =	sld [smem:$0x3FA8]  }
0x2a: {  	p0 =	seq.s32 s5, $0x0;
	s5 =	sld [smem:$0x3FA9]  }
0x2b: {  	s6 =	sld [smem:$0x3FAA]  }
0x2c: {  	s7 =	sld [smem:$0x3FAB]  }
0x2d: {  	s3 =	simm.s32 $0x108;
	s8 =	sld [smem:$0x3FAC]  }
0x2e: {  	s3 =	simm.s32 @!p0 $0x1082;
	s9 =	sld [smem:$0x3FAD]  }
0x2f: {  	lr =	sadd.s32 s0, s3;
	s0 =	sld [smem:$0x3FA4]  }
0x30: {  	s3 =	sld [smem:$0x3FA7]  }
0x31: {  	[smem:$0x3FB0] =	sst s10  }
0x32: {  	s10 =	sld [smem:$0x3FAE];
	_ =	sdelay $0x3  }
0x33: {  	p0 =	seq.s32 s10, $0x1;
	s10 =	sld [smem:$0x3FB0];
	_ =	sdelay $0x3  }
0x34: {  	[smem:$0x3FB0] =	sst s10  }
0x35: {  	s10 =	sld [smem:$0x3FAF];
	_ =	sdelay $0x3  }
0x36: {  	p1 =	seq.s32 s10, $0x1;
	s10 =	sld [smem:$0x3FB0];
	_ =	sdelay $0x3  }
0x37: {  	[smem:$0x3FB0] =	sst s10  }
0x38: {  	s10 =	sld [smem:$0x3FB1]  }
0x39: {  	_ = 	snop;
	(pc) =	sbr.ind lr, $3  }
0x3a: {  	_ = 	snop  }
0x3b: {  	_ = 	snop  }
0x3c: {  	p2 =	seq.s32 s10, $0x1;
	s10 =	sld [smem:$0x3FB0]  }
0x3d: {  	_ =	shalt  }
0x3e: {  	_ =	shalt  }
0x3f: {  	_ =	shalt  }
0x40: {  	_ =	shalt  }
0x41: {  	_ =	shalt  }
0x42: {  	_ =	shalt  }
0x43: {  	_ =	shalt  }
0x44: {  	_ =	shalt  }
0x45: {  	_ =	shalt  }
0x46: {  	_ =	shalt  }
0x47: {  	_ =	shalt  }
0x48: {  	_ =	shalt  }
0x49: {  	_ =	shalt  }
0x4a: {  	_ =	shalt  }
0x4b: {  	_ =	shalt  }
0x4c: {  	_ =	shalt  }
0x4d: {  	_ =	shalt  }
0x4e: {  	_ =	shalt  }
0x4f: {  	_ =	shalt  }
0x50: {  	_ =	shalt  }
0x51: {  	_ =	shalt  }
0x52: {  	_ =	shalt  }
0x53: {  	_ =	shalt  }
0x54: {  	_ =	shalt  }
0x55: {  	_ =	shalt  }
0x56: {  	_ =	shalt  }
0x57: {  	_ =	shalt  }
0x58: {  	_ =	shalt  }
0x59: {  	_ =	shalt  }
0x5a: {  	_ =	shalt  }
0x5b: {  	_ =	shalt  }
0x5c: {  	_ =	shalt  }
0x5d: {  	_ =	shalt  }
0x5e: {  	_ =	shalt  }
0x5f: {  	_ =	shalt  }
0x60: {  	_ =	shalt  }
0x61: {  	_ =	shalt  }
0x62: {  	_ =	shalt  }
0x63: {  	_ =	shalt  }
0x64: {  	_ =	shalt  }
0x65: {  	_ =	shalt  }
0x66: {  	_ =	shalt  }
0x67: {  	_ =	shalt  }
0x68: {  	_ =	shalt  }
0x69: {  	_ =	shalt  }
0x6a: {  	_ =	shalt  }
0x6b: {  	_ =	shalt  }
0x6c: {  	_ =	shalt  }
0x6d: {  	_ =	shalt  }
0x6e: {  	_ =	shalt  }
0x6f: {  	_ =	shalt  }
0x70: {  	_ =	shalt  }
0x71: {  	_ =	shalt  }
0x72: {  	_ =	shalt  }
0x73: {  	_ =	shalt  }
0x74: {  	_ =	shalt  }
0x75: {  	_ =	shalt  }
0x76: {  	_ =	shalt  }
0x77: {  	_ =	shalt  }
0x78: {  	_ =	shalt  }
0x79: {  	_ =	shalt  }
0x7a: {  	_ =	shalt  }
0x7b: {  	_ =	shalt  }
0x7c: {  	_ =	shalt  }
0x7d: {  	_ =	shalt  }
0x7e: {  	_ =	shalt  }
0x7f: {  	_ =	shalt  }
0x80: {  	_ =	shalt  }
0x81: {  	_ =	shalt  }
0x82: {  	_ =	shalt  }
0x83: {  	_ =	shalt  }
0x84: {  	_ =	shalt  }
0x85: {  	_ =	shalt  }
0x86: {  	_ =	shalt  }
0x87: {  	_ =	shalt  }
.Lfunc_end0:
.L_simem_size_0:
called_computation_lowered:
.L_overlay_start_0:
0x88: {  	s2 =	sld [smem:$0x3FD9]  }
0x89: {  	s3 =	sld [smem:$0x3FFE];
	_ =	sdelay $0x1  }
0x8a: {  	s1 =	srdreg.scid  }
0x8b: {  	s0 =	sand.u32 $0x1, s1  }
0x8c: {  	s14 =	sshll.u32 s0, $0xA;
	s2 =	sadd.s32 s3, s2  }
0x8d: {  	s2 =	sadd.s32 s2, s14  }
0x8e: {  	[smem:$0x3FBC] =	sst s2  }
0x8f: {  	_ = 	snop  }
0x90: {  	s2 =	sld [smem:$0x3FD0];
	_ =	sdelay $0x2  }
0x91: {  	s15 =	simm.s32 $0xB;
	s4 =	simm.s32 $0x10  }
0x92: {  	[smem:s4], [sflag:s15] =	dma.local [hbm:s2], $0x1  }
0x93: {  	_ =	swait.eq [sflag:s15], $0x1  }
0x94: {  	[sflag:s15] =	ssyncset.done $0x0  }
0x95: {  	[sflag:s15] =	ssyncadd.s32 $0xFFFFFFFF  }
0x96: {  	s16 =	sld [smem:$0x10];
	(tm) =	ssettm $0x1  }
0x97: {  	s17 =	sld [smem:$0x3FFB];
	_ =	sdelay $0x3  }
0x98: {  	_ =	strace s17  }
0x99: {  	s3 =	sld [smem:$0x3FFC];
	_ =	sdelay $0x3  }
0x9a: {  	_ =	strace s3  }
0x9b: {  	s3 =	sld [smem:$0x3FFD];
	_ =	sdelay $0x3  }
0x9c: {  	_ =	strace s3  }
0x9d: {  	_ =	strace $0x8FFFFFFF  }
0x9e: {  	s18 =	sld [smem:$0x3FDB];
	_ =	sdelay $0x1  }
0x9f: {  	s19 =	simm.s32 $_scs_section_size  }
0xa0: {  	s5 =	simm.s32 $_size__tile_overlayer_lowered;
	s6 =	simm.s32 $_tile_overlayer_lowered  }
0xa1: {  	s22 =	simm.s32 $0x1BFF;
	s21 =	sshll.u32 s6, $0x1;
	s3 =	sadd.s32 s19, s18  }
0xa2: {  	s7 =	simm.s32 $0x0;
	s20 =	sshll.u32 s5, $0x1;
	s5 =	sadd.s32 s21, s3  }
0xa3: {  	[timem:s7], [sflag:s22] =	dma.local [hbm:s5], s20  }
0xa4: {  	_ =	swait.ge [sflag:s22], s20  }
0xa5: {  	s4 =	ssub.s32 $0x0, s20;
	[sflag:s22] =	ssyncset.done $0x0  }
0xa6: {  	[sflag:s22] =	ssyncadd.s32 s4;
	_ =	sdelay $0x1  }
0xa7: {  	s23 =	simm.s32 $0x1B8B  }
0xa8: {  	_ =	swait.ge [sflag:s23], $0x1  }
0xa9: {  	[sflag:s23] =	ssyncset.done $0x0  }
0xaa: {  	s25 =	simm.s32 $0x1B8E;
	s24 =	sld [smem:$0x3FFE];
	[sflag:s23] =	ssyncadd.s32 $0xFFFFFFFF  }
0xab: {  	s26 =	simm.s32 $execute0_lowered;
	[smem:$0x3FD2] =	sst s25  }
0xac: {  	s5 =	sshll.u32 s26, $0x1;
	_ =	strace $0x80000046;
	[dreg:$0x1] =	wrdreg $0xFFFFFFFF  }
0xad: {  	s28 =	simm.s32 $_size_execute0_lowered;
	s3 =	sadd.s32 s3, s5;
	[dreg:$0x0] =	wrdreg $0x0  }
0xae: {  	s5 =	sshll.u32 s28, $0x1;
	[dreg:$0x2] =	wrdreg s3  }
0xaf: {  	[dreg:$0x3] =	wrdreg s5  }
0xb0: {  	[dreg:$0x4] =	wrdreg $0xC0  }
0xb1: {  	_ =	task [dreg:s7], $0x5FFFF  }
0xb2: {  	[dreg:$0x1] =	wrdreg $0xFFFFFFFF  }
0xb3: {  	[dreg:$0x0] =	wrdreg $0x60  }
0xb4: {  	[dreg:$0x2] =	wrdreg s16  }
0xb5: {  	[dreg:$0x3] =	wrdreg s24  }
0xb6: {  	[dreg:$0x4] =	wrdreg $0x7A800  }
0xb7: {  	[dreg:$0x5] =	wrdreg $0x9  }
0xb8: {  	_ =	task.clear_ibuf [dreg:s7], $0x6FFFF;
	_ =	strace $0x90000046  }
0xb9: {  	s29 =	simm.s32 $0x9;
	_ =	strace $0x80000048  }
0xba: {  	_ =	swait.ge [sflag:s29], $0x1  }
0xbb: {  	[sflag:s29] =	ssyncadd.s32 $0xFFFFFFFF  }
0xbc: {  	_ =	strace $0x90000048  }
0xbd: {  	_ =	sfence  }
0xbe: {  	s30 =	sld [smem:$0x0];
	_ =	sdelay $0x2  }
0xbf: {  	s31 =	sshll.u32 s1, $0xD;
	s1 =	sshrl.u32 s1, $0x2  }
0xc0: {  	s3 =	sand.u32 $0x4000, s31;
	s1 =	sadd.s32 s1, s30  }
0xc1: {  	s0 =	sor.u32 s3, s0;
	s1 =	sshll.u32 s1, $0x11  }
0xc2: {  	s0 =	sor.u32 s1, s0  }
0xc3: {  	s0 =	sadd.s32 $0x8F2B, s0  }
0xc4: {  	[sflag:s0] =	ssyncadd.remote.s32 $0x1  }
0xc5: {  	_ =	sfence.sel $0xFFFF  }
0xc6: {  	[dreg:$0x0] =	wrdreg $0xFFFFFFFF;
	(pc) =	sbr.abs _section_cstart, $3  }
0xc7: {  	[dreg:$0x1] =	wrdreg $0xFFFFFFFF  }
0xc8: {  	_ =	task.clear_ibuf [dreg:s7], $0x2FFFF;
	_ =	strace $0x9FFFFFFF  }
0xc9: {  	(tm) =	ssettm $0x7FFFFFFF  }
tec
execute0_lowered:
.L_overlay_start_1:
0x0: {  	(tag) =	ssettag $0x1  }
0x1: {  	s4 =	rddreg [dreg:$0x0]  }
0x2: {  	s6 =	rddreg [dreg:$0x1]  }
0x3: {  	s7 =	rddreg [dreg:$0x2]  }
0x4: {  	s1 =	srdreg.scid;
	s0 =	rddreg [dreg:$0x3]  }
0x5: {  	s2 =	simm.s32 $0x0;
	s12 =	simm.s32 $0x4600;
	s13 =	simm.s32 $0x1400  }
0x6: {  	s14 =	simm.s32 $0x14000;
	s15 =	simm.s32 $0x5000;
	s16 =	simm.s32 $0x7800  }
0x7: {  	s17 =	simm.s32 $0x0;
	s5 =	sand.u32 $0x1, s1;
	s1 =	stileid.u32  }
0x8: {  	[smem:$0x7FF] =	sst s2;
	s3 =	sshll.u32 s5, $0x4;
	s8 =	ssub.s32 $0x2, s5  }
0x9: {  	s22 =	sshrl.u32 s1, $0x3;
	_ =	strace $0x80000047;
	s26 =	smul.u32 $0x5000, s1  }
0xa: {  	s23 =	sshll.u32 s1, $0x7;
	p0 =	seq.s32 s5, $0x1;
	s29 =	smul.u32 $0x50, s1  }
0xb: {  	s3 =	sor.u32 s1, s3;
	s10 =	sshrl.u32 s8, $0x1;
	s11 =	smul.u32 $0x50000, s22  }
0xc: {  	s24 =	sand.u32 $0x380, s23;
	s12 =	simm.s32 @!p0 $0x4000;
	s9 =	smul.u32 $0x500, s3  }
0xd: {  	s3 =	sadd.s32 $0x3A00, s6;
	s8 =	ssub.s32 s8, s10;
	s30 =	sshrl.u32 s26, $0x2  }
0xe: {  	s31 =	sadd.s32 s12, s6;
	s10 =	simm.s32 $0x2800;
	s12 =	simm.s32 $0x400  }
0xf: {  	s25 =	sshrl.u32 s11, $0x2;
	s6 =	sadd.s32 s30, s7;
	s11 =	simm.s32 $0x80  }
0x10: {  	s4 =	sadd.s32 s4, s9;
	s28 =	sadd.s32 s25, s7;
	s7 =	smax.u32 s8, $0x1  }
0x11: {  	v0 =	vimm.f32 $1.000000000e+00;
	s8 =	sadd.s32 s31, s29;
	s9 =	simm.s32 $0x1;
	s5 =	sadd.s32 s24, s28  }
.LBB2_1:
0x12: {  	[tilespmem:s2], [sflag:$0x1] =	stream.linear.gather [hbm4b:s4+s2], $0x2780, $0x38;
	[tilespmem:$0xA280] =	vst v63  }
0x13: {  	_ =	swait.ge [sflag:s9], $0x2780  }
0x14: {  	[sflag:s9] =	ssyncset.done $0x0  }
0x15: {  	[sflag:s9] =	ssyncadd.s32 $0xFFFFD880  }
0x16: {  	[tilespmem:s10], [sflag:$0x1] =	stream.linear.gather [hbm4b:s3+s2], $0x2800, $0x38;
	[tilespmem:$0xA280] =	vst v63  }
0x17: {  	_ =	swait.ge [sflag:s9], $0x2800  }
0x18: {  	[sflag:s9] =	ssyncset.done $0x0  }
0x19: {  	s18 =	simm.s32 $0x1C0;
	[sflag:s9] =	ssyncadd.s32 $0xFFFFD800  }
.LBB2_2:
0x1a: {  	s19 =	sshra.s32 s18, $0x2  }
0x1b: {  	v1 =	vld [tilespmem:s19+$0xFFFFFF90];
	_ =	sdelay $0x7  }
0x1c: {  	[tilespmem:v1+s10+$0x0] =	vst.idx.add.f32.msk $0xffff, v0  }
0x1d: {  	v1 =	vld [tilespmem:s19+$0xFFFFFFA0];
	_ =	sdelay $0x7  }
0x1e: {  	[tilespmem:v1+s10+$0x0] =	vst.idx.add.f32.msk $0xffff, v0  }
0x1f: {  	v1 =	vld [tilespmem:s19+$0xFFFFFFB0];
	_ =	sdelay $0x7  }
0x20: {  	[tilespmem:v1+s10+$0x0] =	vst.idx.add.f32.msk $0xffff, v0  }
0x21: {  	v1 =	vld [tilespmem:s19+$0xFFFFFFC0];
	_ =	sdelay $0x7  }
0x22: {  	[tilespmem:v1+s10+$0x0] =	vst.idx.add.f32.msk $0xffff, v0  }
0x23: {  	v1 =	vld [tilespmem:s19+$0xFFFFFFD0];
	_ =	sdelay $0x7  }
0x24: {  	[tilespmem:v1+s10+$0x0] =	vst.idx.add.f32.msk $0xffff, v0  }
0x25: {  	v1 =	vld [tilespmem:s19+$0xFFFFFFE0];
	_ =	sdelay $0x7  }
0x26: {  	[tilespmem:v1+s10+$0x0] =	vst.idx.add.f32.msk $0xffff, v0  }
0x27: {  	v1 =	vld [tilespmem:s19+$0xFFFFFFF0];
	_ =	sdelay $0x7  }
0x28: {  	[tilespmem:v1+s10+$0x0] =	vst.idx.add.f32.msk $0xffff, v0  }
0x29: {  	v1 =	vld [tilespmem:s19+$0x0];
	_ =	sdelay $0x2  }
0x2a: {  	p0 =	sne.s32 s18, $0x9DC0  }
.Ltmp0:
0x2b: {  	_ = 	snop;
	(pc) =	sbr.rel @p0 .LBB2_2-.Ltmp0, $2  }
0x2c: {  	_ =	sdelay $0x2  }
0x2d: {  	s18 =	sadd.s32 $0x200, s18;
	[tilespmem:v1+s10+$0x0] =	vst.idx.add.f32.msk $0xffff, v0  }
0x2e: {  	[spmem:s5] =	stream.strided.scatter [tilespmem:s10], [sflag:$0x1], $0x2800, s12, s11, $0x38;
	[tilespmem:$0xA280] =	vst v63  }
0x2f: {  	_ =	swait.ge [sflag:s9], $0x2800  }
0x30: {  	[sflag:s9] =	ssyncset.done $0x0  }
0x31: {  	[sflag:s9] =	ssyncadd.s32 $0xFFFFD800  }
0x32: {  	[bflag:$0x0] =	sbarrier.arrive $0xFFFF  }
0x33: {  	[tilespmem:s15], [sflag:$0x1] =	stream.strided.gather [spmem:s6], $0x2800, s14, s13, $0x38;
	[tilespmem:$0xA280] =	vst v63  }
0x34: {  	s18 =	simm.s32 $0x0;
	_ =	swait.ge [sflag:s9], $0x2800  }
0x35: {  	s19 =	sand.u32 $0x70, s18;
	s18 =	sand.u32 $0x1C00, s18;
	[sflag:s9] =	ssyncset.done $0x0  }
0x36: {  	s18 =	sor.u32 s19, s18;
	[sflag:s9] =	ssyncadd.s32 $0xFFFFD800  }
0x37: {  	v1 =	vld [tilespmem:s18+$0x5080]  }
0x38: {  	v2 =	vld [tilespmem:s18+$0x5000];
	_ =	sdelay $0x1  }
0x39: {  	v3 =	vld [tilespmem:s18+$0x5100];
	_ =	sdelay $0x1  }
0x3a: {  	v4 =	vld [tilespmem:s18+$0x5180]  }
0x3b: {  	v1 =	vadd.f32 v1, v2  }
0x3c: {  	v2 =	vld [tilespmem:s18+$0x5200]  }
0x3d: {  	v1 =	vadd.f32 v3, v1  }
0x3e: {  	v3 =	vld [tilespmem:s18+$0x5280]  }
0x3f: {  	v1 =	vadd.f32 v4, v1  }
0x40: {  	v60 =	vld [tilespmem:s18+$0x5300]  }
0x41: {  	v1 =	vadd.f32 v2, v1  }
0x42: {  	v2 =	vld [tilespmem:s18+$0x5380]  }
0x43: {  	v1 =	vadd.f32 v3, v1  }
0x44: {  	v3 =	vld [tilespmem:s18+$0x6400]  }
0x45: {  	v1 =	vadd.f32 v60, v1  }
0x46: {  	v61 =	vld [tilespmem:s18+$0x6480]  }
0x47: {  	v1 =	vadd.f32 v2, v1  }
0x48: {  	v2 =	vld [tilespmem:s18+$0x6500]  }
0x49: {  	v1 =	vadd.f32 v3, v1  }
0x4a: {  	v3 =	vld [tilespmem:s18+$0x6580]  }
0x4b: {  	v1 =	vadd.f32 v61, v1  }
0x4c: {  	v62 =	vld [tilespmem:s18+$0x6600]  }
0x4d: {  	v1 =	vadd.f32 v2, v1  }
0x4e: {  	v2 =	vld [tilespmem:s18+$0x6680]  }
0x4f: {  	v1 =	vadd.f32 v3, v1  }
0x50: {  	v3 =	vld [tilespmem:s18+$0x6700]  }
0x51: {  	v1 =	vadd.f32 v62, v1  }
0x52: {  	v63 =	vld [tilespmem:s18+$0x6780]  }
0x53: {  	v1 =	vadd.f32 v2, v1;
	_ =	sdelay $0x1  }
0x54: {  	v1 =	vadd.f32 v3, v1;
	_ =	sdelay $0x1  }
0x55: {  	s31 =	simm.s32 $0x10;
	s20 =	simm.s32 $0x80;
	v1 =	vadd.f32 v63, v1  }
0x56: {  	s21 =	sand.u32 $0x1C00, s20;
	s19 =	sand.u32 $0x70, s31;
	s18 =	simm.s32 $0x7800  }
0x57: {  	s19 =	sor.u32 s19, s21;
	s21 =	simm.s32 $0x20;
	[tilespmem:s18+$0x0] =	vst v1  }
.LBB2_4:
0x58: {  	p0 =	sne.s32 s21, $0x270;
	v1 =	vld [tilespmem:s19+$0x5080]  }
0x59: {  	v2 =	vld [tilespmem:s19+$0x5000];
	_ =	sdelay $0x1  }
0x5a: {  	v3 =	vld [tilespmem:s19+$0x5100];
	_ =	sdelay $0x1  }
0x5b: {  	v4 =	vld [tilespmem:s19+$0x5180]  }
0x5c: {  	v1 =	vadd.f32 v1, v2  }
0x5d: {  	v2 =	vld [tilespmem:s19+$0x5200]  }
0x5e: {  	v1 =	vadd.f32 v3, v1  }
0x5f: {  	v3 =	vld [tilespmem:s19+$0x5280]  }
0x60: {  	v1 =	vadd.f32 v4, v1  }
0x61: {  	v4 =	vld [tilespmem:s19+$0x5300]  }
0x62: {  	v1 =	vadd.f32 v2, v1  }
0x63: {  	v2 =	vld [tilespmem:s19+$0x5380]  }
0x64: {  	v1 =	vadd.f32 v3, v1  }
0x65: {  	v3 =	vld [tilespmem:s19+$0x6400]  }
0x66: {  	v1 =	vadd.f32 v4, v1  }
0x67: {  	v4 =	vld [tilespmem:s19+$0x6480]  }
0x68: {  	v1 =	vadd.f32 v2, v1  }
0x69: {  	v2 =	vld [tilespmem:s19+$0x6500]  }
0x6a: {  	v1 =	vadd.f32 v3, v1  }
0x6b: {  	v3 =	vld [tilespmem:s19+$0x6580]  }
0x6c: {  	v1 =	vadd.f32 v4, v1  }
0x6d: {  	v4 =	vld [tilespmem:s19+$0x6600]  }
0x6e: {  	v1 =	vadd.f32 v2, v1  }
0x6f: {  	v2 =	vld [tilespmem:s19+$0x6680]  }
0x70: {  	v1 =	vadd.f32 v3, v1  }
0x71: {  	v3 =	vld [tilespmem:s19+$0x6700]  }
0x72: {  	v1 =	vadd.f32 v4, v1  }
0x73: {  	v4 =	vld [tilespmem:s19+$0x6780]  }
0x74: {  	v1 =	vadd.f32 v2, v1;
	_ =	sdelay $0x1  }
.Ltmp1:
0x75: {  	v1 =	vadd.f32 v3, v1;
	(pc) =	sbr.rel @p0 .LBB2_4-.Ltmp1, $4  }
0x76: {  	_ = 	snop  }
0x77: {  	s20 =	sadd.s32 $0x80, s20;
	v1 =	vadd.f32 v4, v1  }
0x78: {  	s18 =	sadd.s32 $0x10, s18;
	s22 =	sand.u32 $0x1C00, s20;
	s19 =	sand.u32 $0x70, s21  }
0x79: {  	s21 =	sadd.s32 $0x10, s21;
	s19 =	sor.u32 s19, s22;
	[tilespmem:s18+$0x0] =	vst v1  }
0x7a: {  	v1 =	vld [tilespmem:s19+$0x5080]  }
0x7b: {  	v2 =	vld [tilespmem:s19+$0x5000];
	_ =	sdelay $0x1  }
0x7c: {  	v3 =	vld [tilespmem:s19+$0x5100];
	_ =	sdelay $0x1  }
0x7d: {  	v4 =	vld [tilespmem:s19+$0x5180]  }
0x7e: {  	v1 =	vadd.f32 v1, v2  }
0x7f: {  	v2 =	vld [tilespmem:s19+$0x5200]  }
0x80: {  	v1 =	vadd.f32 v3, v1  }
0x81: {  	v3 =	vld [tilespmem:s19+$0x5280]  }
0x82: {  	v1 =	vadd.f32 v4, v1  }
0x83: {  	v60 =	vld [tilespmem:s19+$0x5300]  }
0x84: {  	v1 =	vadd.f32 v2, v1  }
0x85: {  	v2 =	vld [tilespmem:s19+$0x5380]  }
0x86: {  	v1 =	vadd.f32 v3, v1  }
0x87: {  	v3 =	vld [tilespmem:s19+$0x6400]  }
0x88: {  	v1 =	vadd.f32 v60, v1  }
0x89: {  	v61 =	vld [tilespmem:s19+$0x6480]  }
0x8a: {  	v1 =	vadd.f32 v2, v1  }
0x8b: {  	v2 =	vld [tilespmem:s19+$0x6500]  }
0x8c: {  	v1 =	vadd.f32 v3, v1  }
0x8d: {  	v3 =	vld [tilespmem:s19+$0x6580]  }
0x8e: {  	v1 =	vadd.f32 v61, v1  }
0x8f: {  	v62 =	vld [tilespmem:s19+$0x6600]  }
0x90: {  	v1 =	vadd.f32 v2, v1  }
0x91: {  	v2 =	vld [tilespmem:s19+$0x6680]  }
0x92: {  	v1 =	vadd.f32 v3, v1  }
0x93: {  	v3 =	vld [tilespmem:s19+$0x6700]  }
0x94: {  	v1 =	vadd.f32 v62, v1  }
0x95: {  	v63 =	vld [tilespmem:s19+$0x6780]  }
0x96: {  	v1 =	vadd.f32 v2, v1;
	_ =	sdelay $0x1  }
0x97: {  	v1 =	vadd.f32 v3, v1;
	_ =	sdelay $0x1  }
0x98: {  	s17 =	sadd.s32 $0x1, s17;
	v1 =	vadd.f32 v63, v1  }
0x99: {  	s18 =	sadd.s32 $0x10, s18;
	p0 =	sne.s32 s17, s7  }
.Ltmp2:
0x9a: {  	[tilespmem:s18+$0x0] =	vst v1;
	(pc) =	sbr.rel @p0 .LBB2_1-.Ltmp2, $4  }
0x9b: {  	[hbm4b:s8+s2] =	stream.linear.scatter [tilespmem:s16], [sflag:$0x1], $0x280, $0x38;
	[tilespmem:$0xA280] =	vst v63  }
0x9c: {  	_ =	swait.ge [sflag:s9], $0x280  }
0x9d: {  	[sflag:s9] =	ssyncset.done $0x0  }
0x9e: {  	[sflag:s9] =	ssyncadd.s32 $0xFFFFFD80  }
0x9f: {  	_ =	sfence.sel $0x180000  }
0xa0: {  	[bflag:$0x0] =	sbarrier.arrive $0xFFFF  }
0xa1: {  	p0 =	sne.s32 s1, $0x0;
	_ =	strace $0x90000047  }
0xa2: {  	s0 =	sadd.s32 @!p0 $0x100000, s0;
	[bflag:$0x2] =	sbarrier.arrive $0xFFFF  }
0xa3: {  	[sflag:s0] =	ssyncadd.tile.s32 @!p0 $0x1;
	_ =	shalt  }
.Lfunc_end2:
_tile_overlayer_lowered:
.L_overlay_start_2:
0xa4: {  	(tag) =	ssettag $0x2  }
0xa5: {  	s0 =	rddreg [dreg:$0x0];
	s2 =	stileid.u32  }
0xa6: {  	s1 =	rddreg [dreg:$0x1];
	p0 =	sne.s32 s2, $0x0  }
0xa7: {  	s3 =	rddreg [dreg:$0x2];
	[bflag:$0x3] =	sbarrier.arrive $0xFFFF;
	s2 =	simm.s32 @!p0 $0x1C01  }
0xa8: {  	[timem:s3], [sflag:s2] =	dma.local @!p0 [hbm:s0], s1  }
0xa9: {  	s0 =	simm.s32 @!p0 $0x1  }
0xaa: {  	_ =	swait.ge @!p0 [sflag:s0], s1  }
0xab: {  	s1 =	ssub.s32 @!p0 $0x0, s1;
	[sflag:s0] =	ssyncset.done @!p0 $0x0  }
0xac: {  	[sflag:s0] =	ssyncadd.s32 @!p0 s1  }
0xad: {  	[bflag:$0x3] =	sbarrier.arrive $0xFFFF  }
0xae: {  	_ =	shalt  }

</sc_bundles>
